<compile_context>
chip_gen: v7x
topology: tpu7x:2x2x1
jax: 0.10.2.dev20260603
libtpu: 0.0.44.dev20260713+nightly
codegen_flags: <defaults>
</compile_context>

<pallas_src>
import functools

import jax
import jax.numpy as jnp
from jax import lax
from jax.experimental import pallas as pl
from jax.experimental.pallas import tpu as pltpu
from jax.experimental.pallas import tpu_sc as plsc

_DIL = 4
_B, _T, _D = 4, 8192, 1024
_TOUT = (_T + _DIL - 1) // _DIL + 1
_NC, _NS, _L = 2, 16, 16
_NW = _NC * _NS
_WPB = _NW // _B
_K = (_TOUT - 1) // _WPB
_C = 32
_NCHUNK = _K // _C
_TL_PAD = -(-_TOUT // _L) * _L


@functools.partial(
    pl.kernel,
    mesh=plsc.VectorSubcoreMesh(core_axis_name="c", subcore_axis_name="s"),
    out_type=(
        jax.ShapeDtypeStruct((_B, _TOUT, _D), jnp.float32),
        jax.ShapeDtypeStruct((_TOUT,), jnp.int32),
    ),
    scratch_types=[
        pltpu.VMEM((2, _C), jnp.int32),
        pltpu.VMEM((2, _C, _D), jnp.float32),
        pltpu.VMEM((1, _D), jnp.float32),
        pltpu.VMEM((_TL_PAD,), jnp.int32),
        pltpu.SemaphoreType.DMA,
        pltpu.SemaphoreType.DMA,
        pltpu.SemaphoreType.DMA,
        pltpu.SemaphoreType.DMA,
        pltpu.SemaphoreType.DMA,
    ],
    compiler_params=pltpu.CompilerParams(use_tc_tiling_on_sc=True),
)
def _dilator_sc(x_hbm, out_hbm, tl_hbm, idx2, rows2, tailbuf, tl_v,
                gsem0, gsem1, ssem0, ssem1, tsem):
    wid = lax.axis_index("s") * _NC + lax.axis_index("c")
    iota = lax.iota(jnp.int32, _L)
    gsem = (gsem0, gsem1)
    ssem = (ssem0, ssem1)
    bat = lax.div(wid, _WPB)
    t0w = (wid - bat * _WPB) * _K

    tail_src = wid * _T + (_T - 1)

    @pl.when(wid < _B)
    def _():
        pltpu.async_copy(x_hbm.at[pl.ds(tail_src, 1)], tailbuf, tsem)

    @pl.when(wid == _NW - 1)
    def _():
        def tl_body(i, carry):
            tl_v[pl.ds(i * _L, _L)] = jnp.minimum(
                (i * _L + iota) * _DIL, _T - 1)
            return carry

        lax.fori_loop(0, _TL_PAD // _L, tl_body, 0)
        pltpu.async_copy(tl_v.at[pl.ds(0, _TOUT)], tl_hbm, tsem)

    def build_idx(c, b):
        for j in range(_C // _L):
            t = t0w + c * _C + j * _L + iota
            idx2[b, pl.ds(j * _L, _L)] = bat * _T + t * _DIL

    gat = [None, None]
    scat = [None, None]
    for c in range(_NCHUNK):
        b = c % 2
        build_idx(c, b)
        if scat[b] is not None:
            scat[b].wait()
        gat[b] = pltpu.async_copy(x_hbm.at[idx2.at[b]], rows2.at[b], gsem[b])
        if c > 0:
            pb = (c - 1) % 2
            gat[pb].wait()
            scat[pb] = pltpu.async_copy(
                rows2.at[pb],
                out_hbm.at[bat, pl.ds(t0w + (c - 1) * _C, _C)],
                ssem[pb])
    lb = (_NCHUNK - 1) % 2
    gat[lb].wait()
    scat[lb] = pltpu.async_copy(
        rows2.at[lb],
        out_hbm.at[bat, pl.ds(t0w + (_NCHUNK - 1) * _C, _C)],
        ssem[lb])
    scat[1 - lb].wait()
    scat[lb].wait()

    @pl.when(wid < _B)
    def _():
        pltpu.make_async_copy(
            x_hbm.at[pl.ds(tail_src, 1)], tailbuf, tsem).wait()
        pltpu.async_copy(
            tailbuf, out_hbm.at[wid, pl.ds(_TOUT - 1, 1)], tsem).wait()

    @pl.when(wid == _NW - 1)
    def _():
        pltpu.make_async_copy(tl_v.at[pl.ds(0, _TOUT)], tl_hbm, tsem).wait()


def kernel(x):
    return _dilator_sc(x.reshape(_B * _T, _D))

# --- scband reference (transcript-rebuilt; emitter-appended) ---
"""Pipeline reference for scband-dilator-678604832983 (READ-ONLY COPY).

The authoritative reference and input builder live on the scoring server;
editing this copy changes nothing except your own understanding.
"""

import jax, jax.numpy as jnp
import numpy as np

DILATION_RATE = 4

def setup_inputs(seed: int = 0) -> dict:
    key = jax.random.key(seed)
    x = jax.random.normal(key, (4, 8192, 1024), dtype=jnp.float32)
    return {"x": x}

def reference(x):
    # Faithful translation of Dilator.forward with dilation_rate=4, temporal_axis=1.
    # The torch module takes a dict of tensors; here the dict has a single entry 'x'.
    seqlen = x.shape[1]
    # sample every dilation_rate-th timestep
    sample_timeline = jnp.arange(0, seqlen, DILATION_RATE, dtype=jnp.int32)
    # if the last timestep is not included, append it (static check, same math)
    if (seqlen - 1) % DILATION_RATE != 0:
        sample_timeline = jnp.concatenate(
            (sample_timeline, jnp.array([seqlen - 1], dtype=jnp.int32)))
    out = jnp.take(x, sample_timeline, axis=1)
    return (out, sample_timeline)

if __name__ == "__main__":
    import jax
    _d = setup_inputs()
    print(jax.jit(kernel)(*tuple(_d.values())))

</pallas_src>

<mosaic_0001>
#map = affine_map<(d0, d1) -> (0, 0)>
#map1 = affine_map<(d0, d1) -> (0, 0, 0)>
#map2 = affine_map<(d0, d1) -> (0)>
module attributes {stable_mosaic.version = 14 : i64} {
  func.func @_dilator_sc(%arg0: i32, %arg1: i32, %arg2: memref<32768x1024xf32, #tpu.memory_space<hbm>>, %arg3: memref<4x2049x1024xf32, #tpu.memory_space<hbm>>, %arg4: memref<2049xi32, #tpu.memory_space<hbm>>, %arg5: memref<2x32xi32, #tpu.memory_space<vmem>>, %arg6: memref<2x32x1024xf32, #tpu.memory_space<vmem>>, %arg7: memref<1x1024xf32, #tpu.memory_space<vmem>>, %arg8: memref<2064xi32, #tpu.memory_space<vmem>>, %arg9: memref<!tpu.dma_semaphore, #tpu.memory_space<semaphore_mem>>, %arg10: memref<!tpu.dma_semaphore, #tpu.memory_space<semaphore_mem>>, %arg11: memref<!tpu.dma_semaphore, #tpu.memory_space<semaphore_mem>>, %arg12: memref<!tpu.dma_semaphore, #tpu.memory_space<semaphore_mem>>, %arg13: memref<!tpu.dma_semaphore, #tpu.memory_space<semaphore_mem>>) attributes {dimension_semantics = [#tpu.dimension_semantics<core_parallel>, #tpu.dimension_semantics<subcore_parallel>], iteration_bounds = array<i64: 2, 16>, scalar_prefetch = 0 : i64, scratch_operands = 9 : i64, tpu.core_type = #tpu.core_type<sc_vector_subcore>, window_params = [{transform_indices = #map}, {transform_indices = #map1}, {transform_indices = #map2}]} {
    %mul3A = arith.constant 2 : i32
    %mul3A_0 = arith.muli %arg1, %mul3A : i32
    %add3A = arith.addi %mul3A_0, %arg0 : i32
    %iota3A = tpu.iota {dimensions = array<i32: 0>} : vector<16xi32>
    %div3A = arith.constant 8 : i32
    %div3A_1 = arith.divsi %add3A, %div3A : i32
    %mul3A_2 = arith.constant 8 : i32
    %mul3A_3 = arith.muli %div3A_1, %mul3A_2 : i32
    %sub3A = arith.subi %add3A, %mul3A_3 : i32
    %mul3A_4 = arith.constant 256 : i32
    %mul3A_5 = arith.muli %sub3A, %mul3A_4 : i32
    %mul3A_6 = arith.constant 8192 : i32
    %mul3A_7 = arith.muli %add3A, %mul3A_6 : i32
    %add3A_8 = arith.constant 8191 : i32
    %add3A_9 = arith.addi %mul3A_7, %add3A_8 : i32
    %lt3A = arith.constant 4 : i32
    %lt3A_10 = arith.cmpi slt, %add3A, %lt3A : i32
    %convert_element_type3A = arith.extui %lt3A_10 : i1 to i32
    %cond3A = arith.constant 0 : i32
    %cond3A_11 = arith.cmpi ne, %convert_element_type3A, %cond3A : i32
    scf.if %cond3A_11 {
      %dma_start3A_775 = arith.constant 0 : i32
      %dma_start3A_776 = tpu.memref_slice %arg2[%add3A_9, %dma_start3A_775] : memref<32768x1024xf32, #tpu.memory_space<hbm>> -> memref<1x1024xf32, #tpu.memory_space<hbm>>
      %dma_start3A_777 = arith.constant 0 : i32
      %dma_start3A_778 = tpu.memref_slice %arg2[%add3A_9, %dma_start3A_777] : memref<32768x1024xf32, #tpu.memory_space<hbm>> -> memref<1x1024xf32, #tpu.memory_space<hbm>>
      tpu.enqueue_dma source(%dma_start3A_778 : memref<1x1024xf32, #tpu.memory_space<hbm>>) target(%arg7 : memref<1x1024xf32, #tpu.memory_space<vmem>>) target_semaphore(%arg13 : memref<!tpu.dma_semaphore, #tpu.memory_space<semaphore_mem>>)
    } else {
    }
    %eq3A = arith.constant 31 : i32
    %eq3A_12 = arith.cmpi eq, %add3A, %eq3A : i32
    %convert_element_type3A_13 = arith.extui %eq3A_12 : i1 to i32
    %cond3A_14 = arith.constant 0 : i32
    %cond3A_15 = arith.cmpi ne, %convert_element_type3A_13, %cond3A_14 : i32
    scf.if %cond3A_15 {
      %scan3A = arith.constant 0 : i32
      %scan3A_775 = arith.constant 0 : i32
      %scan3A_776 = arith.constant 129 : i32
      %scan3A_777 = arith.addi %scan3A_775, %scan3A_776 : i32
      %scan3A_778 = arith.constant 1 : i32
      scf.for %scan3A_784 = %scan3A_775 to %scan3A_777 step %scan3A_778  : i32 {
        %mul3A_785 = arith.constant 16 : i32
        %mul3A_786 = arith.muli %scan3A_784, %mul3A_785 : i32
        %add3A_787 = vector.broadcast %mul3A_786 : i32 to vector<16xi32>
        %add3A_788 = arith.addi %add3A_787, %iota3A : vector<16xi32>
        %mul3A_789 = arith.constant 4 : i32
        %mul3A_790 = vector.broadcast %mul3A_789 : i32 to vector<16xi32>
        %mul3A_791 = arith.muli %add3A_788, %mul3A_790 : vector<16xi32>
        %min3A = arith.constant 8191 : i32
        %min3A_792 = vector.broadcast %min3A : i32 to vector<16xi32>
        %min3A_793 = arith.minsi %mul3A_791, %min3A_792 : vector<16xi32>
        %mul3A_794 = arith.constant 16 : i32
        %mul3A_795 = arith.muli %scan3A_784, %mul3A_794 : i32
        %swap3A_796 = arith.index_cast %mul3A_795 : i32 to index
        %swap3A_797 = tpu.vector_load %arg8[%swap3A_796] {strides = array<i32>} : memref<2064xi32, #tpu.memory_space<vmem>>, vector<16xi32>,
        %swap3A_798 = vector.shape_cast %swap3A_797 : vector<16xi32> to vector<16xi32>
        %swap3A_799 = vector.shape_cast %min3A_793 : vector<16xi32> to vector<16xi32>
        tpu.vector_store %arg8[%swap3A_796], %swap3A_799 {strides = array<i32>} : memref<2064xi32, #tpu.memory_space<vmem>>, vector<16xi32>,
      }
      %scan3A_779 = arith.constant 129 : i32
      %dma_start3A_780 = arith.constant 0 : i32
      %dma_start3A_781 = tpu.memref_slice %arg8[%dma_start3A_780] : memref<2064xi32, #tpu.memory_space<vmem>> -> memref<2049xi32, #tpu.memory_space<vmem>>
      %dma_start3A_782 = arith.constant 0 : i32
      %dma_start3A_783 = tpu.memref_slice %arg8[%dma_start3A_782] : memref<2064xi32, #tpu.memory_space<vmem>> -> memref<2049xi32, #tpu.memory_space<vmem>>
      tpu.enqueue_dma source(%dma_start3A_783 : memref<2049xi32, #tpu.memory_space<vmem>>) target(%arg4 : memref<2049xi32, #tpu.memory_space<hbm>>) target_semaphore(%arg13 : memref<!tpu.dma_semaphore, #tpu.memory_space<semaphore_mem>>)
    } else {
    }
    %add3A_16 = arith.constant 0 : i32
    %add3A_17 = arith.addi %mul3A_5, %add3A_16 : i32
    %add3A_18 = arith.constant 0 : i32
    %add3A_19 = arith.addi %add3A_17, %add3A_18 : i32
    %add3A_20 = vector.broadcast %add3A_19 : i32 to vector<16xi32>
    %add3A_21 = arith.addi %add3A_20, %iota3A : vector<16xi32>
    %mul3A_22 = arith.constant 8192 : i32
    %mul3A_23 = arith.muli %div3A_1, %mul3A_22 : i32
    %mul3A_24 = arith.constant 4 : i32
    %mul3A_25 = vector.broadcast %mul3A_24 : i32 to vector<16xi32>
    %mul3A_26 = arith.muli %add3A_21, %mul3A_25 : vector<16xi32>
    %add3A_27 = vector.broadcast %mul3A_23 : i32 to vector<16xi32>
    %add3A_28 = arith.addi %add3A_27, %mul3A_26 : vector<16xi32>
    %swap3A = arith.constant 0 : i32
    %swap3A_29 = arith.index_cast %swap3A : i32 to index
    %swap3A_30 = arith.constant 0 : index
    %swap3A_31 = tpu.vector_load %arg5[%swap3A_29, %swap3A_30] {strides = array<i32>} : memref<2x32xi32, #tpu.memory_space<vmem>>, vector<1x16xi32>,
    %swap3A_32 = vector.shape_cast %swap3A_31 : vector<1x16xi32> to vector<16xi32>
    %swap3A_33 = vector.shape_cast %add3A_28 : vector<16xi32> to vector<1x16xi32>
    tpu.vector_store %arg5[%swap3A_29, %swap3A_30], %swap3A_33 {strides = array<i32>} : memref<2x32xi32, #tpu.memory_space<vmem>>, vector<1x16xi32>,
    %add3A_34 = arith.constant 0 : i32
    %add3A_35 = arith.addi %mul3A_5, %add3A_34 : i32
    %add3A_36 = arith.constant 16 : i32
    %add3A_37 = arith.addi %add3A_35, %add3A_36 : i32
    %add3A_38 = vector.broadcast %add3A_37 : i32 to vector<16xi32>
    %add3A_39 = arith.addi %add3A_38, %iota3A : vector<16xi32>
    %mul3A_40 = arith.constant 8192 : i32
    %mul3A_41 = arith.muli %div3A_1, %mul3A_40 : i32
    %mul3A_42 = arith.constant 4 : i32
    %mul3A_43 = vector.broadcast %mul3A_42 : i32 to vector<16xi32>
    %mul3A_44 = arith.muli %add3A_39, %mul3A_43 : vector<16xi32>
    %add3A_45 = vector.broadcast %mul3A_41 : i32 to vector<16xi32>
    %add3A_46 = arith.addi %add3A_45, %mul3A_44 : vector<16xi32>
    %swap3A_47 = arith.constant 0 : i32
    %swap3A_48 = arith.index_cast %swap3A_47 : i32 to index
    %swap3A_49 = arith.constant 16 : index
    %swap3A_50 = tpu.vector_load %arg5[%swap3A_48, %swap3A_49] {strides = array<i32>} : memref<2x32xi32, #tpu.memory_space<vmem>>, vector<1x16xi32>,
    %swap3A_51 = vector.shape_cast %swap3A_50 : vector<1x16xi32> to vector<16xi32>
    %swap3A_52 = vector.shape_cast %add3A_46 : vector<16xi32> to vector<1x16xi32>
    tpu.vector_store %arg5[%swap3A_48, %swap3A_49], %swap3A_52 {strides = array<i32>} : memref<2x32xi32, #tpu.memory_space<vmem>>, vector<1x16xi32>,
    %dma_start3A = arith.constant 0 : i32
    %dma_start3A_53 = arith.constant 0 : i32
    %dma_start3A_54 = arith.constant 0 : i32
    %dma_start3A_55 = arith.constant 0 : i32
    %dma_start3A_56 = tpu.memref_slice %arg6[%dma_start3A_53, %dma_start3A_54, %dma_start3A_55] : memref<2x32x1024xf32, #tpu.memory_space<vmem>> -> memref<1x32x1024xf32, #tpu.memory_space<vmem>>
    %dma_start3A_57 = tpu.memref_squeeze %dma_start3A_56 : memref<1x32x1024xf32, #tpu.memory_space<vmem>> -> memref<32x1024xf32, #tpu.memory_space<vmem>>
    %dma_start3A_58 = arith.constant 0 : i32
    %dma_start3A_59 = tpu.memref_slice %arg5[%dma_start3A, %dma_start3A_58] : memref<2x32xi32, #tpu.memory_space<vmem>> -> memref<1x32xi32, #tpu.memory_space<vmem>>
    %dma_start3A_60 = tpu.memref_squeeze %dma_start3A_59 : memref<1x32xi32, #tpu.memory_space<vmem>> -> memref<32xi32, #tpu.memory_space<vmem>>
    %dma_start3A_61 = arith.constant 0 : i32
    %dma_start3A_62 = arith.constant 0 : i32
    %dma_start3A_63 = tpu.memref_slice %arg2[%dma_start3A_61, %dma_start3A_62] : memref<32768x1024xf32, #tpu.memory_space<hbm>> -> memref<32768x1024xf32, #tpu.memory_space<hbm>>
    tpu.enqueue_indirect_dma source(%dma_start3A_63 : memref<32768x1024xf32, #tpu.memory_space<hbm>>) target(%dma_start3A_57 : memref<32x1024xf32, #tpu.memory_space<vmem>>) offsets(%dma_start3A_60 : memref<32xi32, #tpu.memory_space<vmem>>) semaphore(%arg9 : memref<!tpu.dma_semaphore, #tpu.memory_space<semaphore_mem>>)
    %add3A_64 = arith.constant 32 : i32
    %add3A_65 = arith.addi %mul3A_5, %add3A_64 : i32
    %add3A_66 = arith.constant 0 : i32
    %add3A_67 = arith.addi %add3A_65, %add3A_66 : i32
    %add3A_68 = vector.broadcast %add3A_67 : i32 to vector<16xi32>
    %add3A_69 = arith.addi %add3A_68, %iota3A : vector<16xi32>
    %mul3A_70 = arith.constant 8192 : i32
    %mul3A_71 = arith.muli %div3A_1, %mul3A_70 : i32
    %mul3A_72 = arith.constant 4 : i32
    %mul3A_73 = vector.broadcast %mul3A_72 : i32 to vector<16xi32>
    %mul3A_74 = arith.muli %add3A_69, %mul3A_73 : vector<16xi32>
    %add3A_75 = vector.broadcast %mul3A_71 : i32 to vector<16xi32>
    %add3A_76 = arith.addi %add3A_75, %mul3A_74 : vector<16xi32>
    %swap3A_77 = arith.constant 1 : i32
    %swap3A_78 = arith.index_cast %swap3A_77 : i32 to index
    %swap3A_79 = arith.constant 0 : index
    %swap3A_80 = tpu.vector_load %arg5[%swap3A_78, %swap3A_79] {strides = array<i32>} : memref<2x32xi32, #tpu.memory_space<vmem>>, vector<1x16xi32>,
    %swap3A_81 = vector.shape_cast %swap3A_80 : vector<1x16xi32> to vector<16xi32>
    %swap3A_82 = vector.shape_cast %add3A_76 : vector<16xi32> to vector<1x16xi32>
    tpu.vector_store %arg5[%swap3A_78, %swap3A_79], %swap3A_82 {strides = array<i32>} : memref<2x32xi32, #tpu.memory_space<vmem>>, vector<1x16xi32>,
    %add3A_83 = arith.constant 32 : i32
    %add3A_84 = arith.addi %mul3A_5, %add3A_83 : i32
    %add3A_85 = arith.constant 16 : i32
    %add3A_86 = arith.addi %add3A_84, %add3A_85 : i32
    %add3A_87 = vector.broadcast %add3A_86 : i32 to vector<16xi32>
    %add3A_88 = arith.addi %add3A_87, %iota3A : vector<16xi32>
    %mul3A_89 = arith.constant 8192 : i32
    %mul3A_90 = arith.muli %div3A_1, %mul3A_89 : i32
    %mul3A_91 = arith.constant 4 : i32
    %mul3A_92 = vector.broadcast %mul3A_91 : i32 to vector<16xi32>
    %mul3A_93 = arith.muli %add3A_88, %mul3A_92 : vector<16xi32>
    %add3A_94 = vector.broadcast %mul3A_90 : i32 to vector<16xi32>
    %add3A_95 = arith.addi %add3A_94, %mul3A_93 : vector<16xi32>
    %swap3A_96 = arith.constant 1 : i32
    %swap3A_97 = arith.index_cast %swap3A_96 : i32 to index
    %swap3A_98 = arith.constant 16 : index
    %swap3A_99 = tpu.vector_load %arg5[%swap3A_97, %swap3A_98] {strides = array<i32>} : memref<2x32xi32, #tpu.memory_space<vmem>>, vector<1x16xi32>,
    %swap3A_100 = vector.shape_cast %swap3A_99 : vector<1x16xi32> to vector<16xi32>
    %swap3A_101 = vector.shape_cast %add3A_95 : vector<16xi32> to vector<1x16xi32>
    tpu.vector_store %arg5[%swap3A_97, %swap3A_98], %swap3A_101 {strides = array<i32>} : memref<2x32xi32, #tpu.memory_space<vmem>>, vector<1x16xi32>,
    %dma_start3A_102 = arith.constant 1 : i32
    %dma_start3A_103 = arith.constant 1 : i32
    %dma_start3A_104 = arith.constant 0 : i32
    %dma_start3A_105 = arith.constant 0 : i32
    %dma_start3A_106 = tpu.memref_slice %arg6[%dma_start3A_103, %dma_start3A_104, %dma_start3A_105] : memref<2x32x1024xf32, #tpu.memory_space<vmem>> -> memref<1x32x1024xf32, #tpu.memory_space<vmem>>
    %dma_start3A_107 = tpu.memref_squeeze %dma_start3A_106 : memref<1x32x1024xf32, #tpu.memory_space<vmem>> -> memref<32x1024xf32, #tpu.memory_space<vmem>>
    %dma_start3A_108 = arith.constant 0 : i32
    %dma_start3A_109 = tpu.memref_slice %arg5[%dma_start3A_102, %dma_start3A_108] : memref<2x32xi32, #tpu.memory_space<vmem>> -> memref<1x32xi32, #tpu.memory_space<vmem>>
    %dma_start3A_110 = tpu.memref_squeeze %dma_start3A_109 : memref<1x32xi32, #tpu.memory_space<vmem>> -> memref<32xi32, #tpu.memory_space<vmem>>
    %dma_start3A_111 = arith.constant 0 : i32
    %dma_start3A_112 = arith.constant 0 : i32
    %dma_start3A_113 = tpu.memref_slice %arg2[%dma_start3A_111, %dma_start3A_112] : memref<32768x1024xf32, #tpu.memory_space<hbm>> -> memref<32768x1024xf32, #tpu.memory_space<hbm>>
    tpu.enqueue_indirect_dma source(%dma_start3A_113 : memref<32768x1024xf32, #tpu.memory_space<hbm>>) target(%dma_start3A_107 : memref<32x1024xf32, #tpu.memory_space<vmem>>) offsets(%dma_start3A_110 : memref<32xi32, #tpu.memory_space<vmem>>) semaphore(%arg10 : memref<!tpu.dma_semaphore, #tpu.memory_space<semaphore_mem>>)
    %dma_wait3A = arith.constant 0 : i32
    %dma_wait3A_114 = arith.constant 0 : i32
    %dma_wait3A_115 = arith.constant 0 : i32
    %dma_wait3A_116 = arith.constant 0 : i32
    %dma_wait3A_117 = tpu.memref_slice %arg6[%dma_wait3A_114, %dma_wait3A_115, %dma_wait3A_116] : memref<2x32x1024xf32, #tpu.memory_space<vmem>> -> memref<1x32x1024xf32, #tpu.memory_space<vmem>>
    %dma_wait3A_118 = tpu.memref_squeeze %dma_wait3A_117 : memref<1x32x1024xf32, #tpu.memory_space<vmem>> -> memref<32x1024xf32, #tpu.memory_space<vmem>>
    %dma_wait3A_119 = arith.constant 0 : i32
    %dma_wait3A_120 = tpu.memref_slice %arg5[%dma_wait3A, %dma_wait3A_119] : memref<2x32xi32, #tpu.memory_space<vmem>> -> memref<1x32xi32, #tpu.memory_space<vmem>>
    %dma_wait3A_121 = tpu.memref_squeeze %dma_wait3A_120 : memref<1x32xi32, #tpu.memory_space<vmem>> -> memref<32xi32, #tpu.memory_space<vmem>>
    %dma_wait3A_122 = arith.constant 0 : i32
    %dma_wait3A_123 = arith.constant 0 : i32
    %dma_wait3A_124 = tpu.memref_slice %arg2[%dma_wait3A_122, %dma_wait3A_123] : memref<32768x1024xf32, #tpu.memory_space<hbm>> -> memref<32768x1024xf32, #tpu.memory_space<hbm>>
    tpu.wait_indirect_dma semaphore(%arg9 : memref<!tpu.dma_semaphore, #tpu.memory_space<semaphore_mem>>) src(%dma_wait3A_124 : memref<32768x1024xf32, #tpu.memory_space<hbm>>) dst(%dma_wait3A_118 : memref<32x1024xf32, #tpu.memory_space<vmem>>)
    %add3A_125 = arith.constant 0 : i32
    %add3A_126 = arith.addi %mul3A_5, %add3A_125 : i32
    %dma_start3A_127 = arith.constant 0 : i32
    %dma_start3A_128 = arith.constant 0 : i32
    %dma_start3A_129 = arith.constant 0 : i32
    %dma_start3A_130 = tpu.memref_slice %arg6[%dma_start3A_127, %dma_start3A_128, %dma_start3A_129] : memref<2x32x1024xf32, #tpu.memory_space<vmem>> -> memref<1x32x1024xf32, #tpu.memory_space<vmem>>
    %dma_start3A_131 = tpu.memref_squeeze %dma_start3A_130 : memref<1x32x1024xf32, #tpu.memory_space<vmem>> -> memref<32x1024xf32, #tpu.memory_space<vmem>>
    %dma_start3A_132 = arith.constant 0 : i32
    %dma_start3A_133 = tpu.memref_slice %arg3[%div3A_1, %add3A_126, %dma_start3A_132] : memref<4x2049x1024xf32, #tpu.memory_space<hbm>> -> memref<1x32x1024xf32, #tpu.memory_space<hbm>>
    %dma_start3A_134 = tpu.memref_squeeze %dma_start3A_133 : memref<1x32x1024xf32, #tpu.memory_space<hbm>> -> memref<32x1024xf32, #tpu.memory_space<hbm>>
    %dma_start3A_135 = arith.constant 0 : i32
    %dma_start3A_136 = tpu.memref_slice %arg3[%div3A_1, %add3A_126, %dma_start3A_135] : memref<4x2049x1024xf32, #tpu.memory_space<hbm>> -> memref<1x32x1024xf32, #tpu.memory_space<hbm>>
    %dma_start3A_137 = tpu.memref_squeeze %dma_start3A_136 : memref<1x32x1024xf32, #tpu.memory_space<hbm>> -> memref<32x1024xf32, #tpu.memory_space<hbm>>
    %dma_start3A_138 = arith.constant 0 : i32
    %dma_start3A_139 = arith.constant 0 : i32
    %dma_start3A_140 = tpu.memref_slice %arg6[%dma_start3A_127, %dma_start3A_138, %dma_start3A_139] : memref<2x32x1024xf32, #tpu.memory_space<vmem>> -> memref<1x32x1024xf32, #tpu.memory_space<vmem>>
    %dma_start3A_141 = tpu.memref_squeeze %dma_start3A_140 : memref<1x32x1024xf32, #tpu.memory_space<vmem>> -> memref<32x1024xf32, #tpu.memory_space<vmem>>
    tpu.enqueue_dma source(%dma_start3A_141 : memref<32x1024xf32, #tpu.memory_space<vmem>>) target(%dma_start3A_137 : memref<32x1024xf32, #tpu.memory_space<hbm>>) target_semaphore(%arg11 : memref<!tpu.dma_semaphore, #tpu.memory_space<semaphore_mem>>)
    %add3A_142 = arith.constant 64 : i32
    %add3A_143 = arith.addi %mul3A_5, %add3A_142 : i32
    %add3A_144 = arith.constant 0 : i32
    %add3A_145 = arith.addi %add3A_143, %add3A_144 : i32
    %add3A_146 = vector.broadcast %add3A_145 : i32 to vector<16xi32>
    %add3A_147 = arith.addi %add3A_146, %iota3A : vector<16xi32>
    %mul3A_148 = arith.constant 8192 : i32
    %mul3A_149 = arith.muli %div3A_1, %mul3A_148 : i32
    %mul3A_150 = arith.constant 4 : i32
    %mul3A_151 = vector.broadcast %mul3A_150 : i32 to vector<16xi32>
    %mul3A_152 = arith.muli %add3A_147, %mul3A_151 : vector<16xi32>
    %add3A_153 = vector.broadcast %mul3A_149 : i32 to vector<16xi32>
    %add3A_154 = arith.addi %add3A_153, %mul3A_152 : vector<16xi32>
    %swap3A_155 = arith.constant 0 : i32
    %swap3A_156 = arith.index_cast %swap3A_155 : i32 to index
    %swap3A_157 = arith.constant 0 : index
    %swap3A_158 = tpu.vector_load %arg5[%swap3A_156, %swap3A_157] {strides = array<i32>} : memref<2x32xi32, #tpu.memory_space<vmem>>, vector<1x16xi32>,
    %swap3A_159 = vector.shape_cast %swap3A_158 : vector<1x16xi32> to vector<16xi32>
    %swap3A_160 = vector.shape_cast %add3A_154 : vector<16xi32> to vector<1x16xi32>
    tpu.vector_store %arg5[%swap3A_156, %swap3A_157], %swap3A_160 {strides = array<i32>} : memref<2x32xi32, #tpu.memory_space<vmem>>, vector<1x16xi32>,
    %add3A_161 = arith.constant 64 : i32
    %add3A_162 = arith.addi %mul3A_5, %add3A_161 : i32
    %add3A_163 = arith.constant 16 : i32
    %add3A_164 = arith.addi %add3A_162, %add3A_163 : i32
    %add3A_165 = vector.broadcast %add3A_164 : i32 to vector<16xi32>
    %add3A_166 = arith.addi %add3A_165, %iota3A : vector<16xi32>
    %mul3A_167 = arith.constant 8192 : i32
    %mul3A_168 = arith.muli %div3A_1, %mul3A_167 : i32
    %mul3A_169 = arith.constant 4 : i32
    %mul3A_170 = vector.broadcast %mul3A_169 : i32 to vector<16xi32>
    %mul3A_171 = arith.muli %add3A_166, %mul3A_170 : vector<16xi32>
    %add3A_172 = vector.broadcast %mul3A_168 : i32 to vector<16xi32>
    %add3A_173 = arith.addi %add3A_172, %mul3A_171 : vector<16xi32>
    %swap3A_174 = arith.constant 0 : i32
    %swap3A_175 = arith.index_cast %swap3A_174 : i32 to index
    %swap3A_176 = arith.constant 16 : index
    %swap3A_177 = tpu.vector_load %arg5[%swap3A_175, %swap3A_176] {strides = array<i32>} : memref<2x32xi32, #tpu.memory_space<vmem>>, vector<1x16xi32>,
    %swap3A_178 = vector.shape_cast %swap3A_177 : vector<1x16xi32> to vector<16xi32>
    %swap3A_179 = vector.shape_cast %add3A_173 : vector<16xi32> to vector<1x16xi32>
    tpu.vector_store %arg5[%swap3A_175, %swap3A_176], %swap3A_179 {strides = array<i32>} : memref<2x32xi32, #tpu.memory_space<vmem>>, vector<1x16xi32>,
    %dma_wait3A_180 = arith.constant 0 : i32
    %dma_wait3A_181 = arith.constant 0 : i32
    %dma_wait3A_182 = arith.constant 0 : i32
    %dma_wait3A_183 = tpu.memref_slice %arg6[%dma_wait3A_180, %dma_wait3A_181, %dma_wait3A_182] : memref<2x32x1024xf32, #tpu.memory_space<vmem>> -> memref<1x32x1024xf32, #tpu.memory_space<vmem>>
    %dma_wait3A_184 = tpu.memref_squeeze %dma_wait3A_183 : memref<1x32x1024xf32, #tpu.memory_space<vmem>> -> memref<32x1024xf32, #tpu.memory_space<vmem>>
    %dma_wait3A_185 = arith.constant 0 : i32
    %dma_wait3A_186 = tpu.memref_slice %arg3[%div3A_1, %add3A_126, %dma_wait3A_185] : memref<4x2049x1024xf32, #tpu.memory_space<hbm>> -> memref<1x32x1024xf32, #tpu.memory_space<hbm>>
    %dma_wait3A_187 = tpu.memref_squeeze %dma_wait3A_186 : memref<1x32x1024xf32, #tpu.memory_space<hbm>> -> memref<32x1024xf32, #tpu.memory_space<hbm>>
    %dma_wait3A_188 = arith.constant 0 : i32
    %dma_wait3A_189 = tpu.memref_slice %arg3[%div3A_1, %add3A_126, %dma_wait3A_188] : memref<4x2049x1024xf32, #tpu.memory_space<hbm>> -> memref<1x32x1024xf32, #tpu.memory_space<hbm>>
    %dma_wait3A_190 = tpu.memref_squeeze %dma_wait3A_189 : memref<1x32x1024xf32, #tpu.memory_space<hbm>> -> memref<32x1024xf32, #tpu.memory_space<hbm>>
    %dma_wait3A_191 = arith.constant 0 : i32
    %dma_wait3A_192 = arith.constant 0 : i32
    %dma_wait3A_193 = tpu.memref_slice %arg6[%dma_wait3A_180, %dma_wait3A_191, %dma_wait3A_192] : memref<2x32x1024xf32, #tpu.memory_space<vmem>> -> memref<1x32x1024xf32, #tpu.memory_space<vmem>>
    %dma_wait3A_194 = tpu.memref_squeeze %dma_wait3A_193 : memref<1x32x1024xf32, #tpu.memory_space<vmem>> -> memref<32x1024xf32, #tpu.memory_space<vmem>>
    tpu.wait_dma2 semaphore(%arg11 : memref<!tpu.dma_semaphore, #tpu.memory_space<semaphore_mem>>) src(%dma_wait3A_194 : memref<32x1024xf32, #tpu.memory_space<vmem>>) dst(%dma_wait3A_190 : memref<32x1024xf32, #tpu.memory_space<hbm>>)
    %dma_start3A_195 = arith.constant 0 : i32
    %dma_start3A_196 = arith.constant 0 : i32
    %dma_start3A_197 = arith.constant 0 : i32
    %dma_start3A_198 = arith.constant 0 : i32
    %dma_start3A_199 = tpu.memref_slice %arg6[%dma_start3A_196, %dma_start3A_197, %dma_start3A_198] : memref<2x32x1024xf32, #tpu.memory_space<vmem>> -> memref<1x32x1024xf32, #tpu.memory_space<vmem>>
    %dma_start3A_200 = tpu.memref_squeeze %dma_start3A_199 : memref<1x32x1024xf32, #tpu.memory_space<vmem>> -> memref<32x1024xf32, #tpu.memory_space<vmem>>
    %dma_start3A_201 = arith.constant 0 : i32
    %dma_start3A_202 = tpu.memref_slice %arg5[%dma_start3A_195, %dma_start3A_201] : memref<2x32xi32, #tpu.memory_space<vmem>> -> memref<1x32xi32, #tpu.memory_space<vmem>>
    %dma_start3A_203 = tpu.memref_squeeze %dma_start3A_202 : memref<1x32xi32, #tpu.memory_space<vmem>> -> memref<32xi32, #tpu.memory_space<vmem>>
    %dma_start3A_204 = arith.constant 0 : i32
    %dma_start3A_205 = arith.constant 0 : i32
    %dma_start3A_206 = tpu.memref_slice %arg2[%dma_start3A_204, %dma_start3A_205] : memref<32768x1024xf32, #tpu.memory_space<hbm>> -> memref<32768x1024xf32, #tpu.memory_space<hbm>>
    tpu.enqueue_indirect_dma source(%dma_start3A_206 : memref<32768x1024xf32, #tpu.memory_space<hbm>>) target(%dma_start3A_200 : memref<32x1024xf32, #tpu.memory_space<vmem>>) offsets(%dma_start3A_203 : memref<32xi32, #tpu.memory_space<vmem>>) semaphore(%arg9 : memref<!tpu.dma_semaphore, #tpu.memory_space<semaphore_mem>>)
    %dma_wait3A_207 = arith.constant 1 : i32
    %dma_wait3A_208 = arith.constant 1 : i32
    %dma_wait3A_209 = arith.constant 0 : i32
    %dma_wait3A_210 = arith.constant 0 : i32
    %dma_wait3A_211 = tpu.memref_slice %arg6[%dma_wait3A_208, %dma_wait3A_209, %dma_wait3A_210] : memref<2x32x1024xf32, #tpu.memory_space<vmem>> -> memref<1x32x1024xf32, #tpu.memory_space<vmem>>
    %dma_wait3A_212 = tpu.memref_squeeze %dma_wait3A_211 : memref<1x32x1024xf32, #tpu.memory_space<vmem>> -> memref<32x1024xf32, #tpu.memory_space<vmem>>
    %dma_wait3A_213 = arith.constant 0 : i32
    %dma_wait3A_214 = tpu.memref_slice %arg5[%dma_wait3A_207, %dma_wait3A_213] : memref<2x32xi32, #tpu.memory_space<vmem>> -> memref<1x32xi32, #tpu.memory_space<vmem>>
    %dma_wait3A_215 = tpu.memref_squeeze %dma_wait3A_214 : memref<1x32xi32, #tpu.memory_space<vmem>> -> memref<32xi32, #tpu.memory_space<vmem>>
    %dma_wait3A_216 = arith.constant 0 : i32
    %dma_wait3A_217 = arith.constant 0 : i32
    %dma_wait3A_218 = tpu.memref_slice %arg2[%dma_wait3A_216, %dma_wait3A_217] : memref<32768x1024xf32, #tpu.memory_space<hbm>> -> memref<32768x1024xf32, #tpu.memory_space<hbm>>
    tpu.wait_indirect_dma semaphore(%arg10 : memref<!tpu.dma_semaphore, #tpu.memory_space<semaphore_mem>>) src(%dma_wait3A_218 : memref<32768x1024xf32, #tpu.memory_space<hbm>>) dst(%dma_wait3A_212 : memref<32x1024xf32, #tpu.memory_space<vmem>>)
    %add3A_219 = arith.constant 32 : i32
    %add3A_220 = arith.addi %mul3A_5, %add3A_219 : i32
    %dma_start3A_221 = arith.constant 1 : i32
    %dma_start3A_222 = arith.constant 0 : i32
    %dma_start3A_223 = arith.constant 0 : i32
    %dma_start3A_224 = tpu.memref_slice %arg6[%dma_start3A_221, %dma_start3A_222, %dma_start3A_223] : memref<2x32x1024xf32, #tpu.memory_space<vmem>> -> memref<1x32x1024xf32, #tpu.memory_space<vmem>>
    %dma_start3A_225 = tpu.memref_squeeze %dma_start3A_224 : memref<1x32x1024xf32, #tpu.memory_space<vmem>> -> memref<32x1024xf32, #tpu.memory_space<vmem>>
    %dma_start3A_226 = arith.constant 0 : i32
    %dma_start3A_227 = tpu.memref_slice %arg3[%div3A_1, %add3A_220, %dma_start3A_226] : memref<4x2049x1024xf32, #tpu.memory_space<hbm>> -> memref<1x32x1024xf32, #tpu.memory_space<hbm>>
    %dma_start3A_228 = tpu.memref_squeeze %dma_start3A_227 : memref<1x32x1024xf32, #tpu.memory_space<hbm>> -> memref<32x1024xf32, #tpu.memory_space<hbm>>
    %dma_start3A_229 = arith.constant 0 : i32
    %dma_start3A_230 = tpu.memref_slice %arg3[%div3A_1, %add3A_220, %dma_start3A_229] : memref<4x2049x1024xf32, #tpu.memory_space<hbm>> -> memref<1x32x1024xf32, #tpu.memory_space<hbm>>
    %dma_start3A_231 = tpu.memref_squeeze %dma_start3A_230 : memref<1x32x1024xf32, #tpu.memory_space<hbm>> -> memref<32x1024xf32, #tpu.memory_space<hbm>>
    %dma_start3A_232 = arith.constant 0 : i32
    %dma_start3A_233 = arith.constant 0 : i32
    %dma_start3A_234 = tpu.memref_slice %arg6[%dma_start3A_221, %dma_start3A_232, %dma_start3A_233] : memref<2x32x1024xf32, #tpu.memory_space<vmem>> -> memref<1x32x1024xf32, #tpu.memory_space<vmem>>
    %dma_start3A_235 = tpu.memref_squeeze %dma_start3A_234 : memref<1x32x1024xf32, #tpu.memory_space<vmem>> -> memref<32x1024xf32, #tpu.memory_space<vmem>>
    tpu.enqueue_dma source(%dma_start3A_235 : memref<32x1024xf32, #tpu.memory_space<vmem>>) target(%dma_start3A_231 : memref<32x1024xf32, #tpu.memory_space<hbm>>) target_semaphore(%arg12 : memref<!tpu.dma_semaphore, #tpu.memory_space<semaphore_mem>>)
    %add3A_236 = arith.constant 96 : i32
    %add3A_237 = arith.addi %mul3A_5, %add3A_236 : i32
    %add3A_238 = arith.constant 0 : i32
    %add3A_239 = arith.addi %add3A_237, %add3A_238 : i32
    %add3A_240 = vector.broadcast %add3A_239 : i32 to vector<16xi32>
    %add3A_241 = arith.addi %add3A_240, %iota3A : vector<16xi32>
    %mul3A_242 = arith.constant 8192 : i32
    %mul3A_243 = arith.muli %div3A_1, %mul3A_242 : i32
    %mul3A_244 = arith.constant 4 : i32
    %mul3A_245 = vector.broadcast %mul3A_244 : i32 to vector<16xi32>
    %mul3A_246 = arith.muli %add3A_241, %mul3A_245 : vector<16xi32>
    %add3A_247 = vector.broadcast %mul3A_243 : i32 to vector<16xi32>
    %add3A_248 = arith.addi %add3A_247, %mul3A_246 : vector<16xi32>
    %swap3A_249 = arith.constant 1 : i32
    %swap3A_250 = arith.index_cast %swap3A_249 : i32 to index
    %swap3A_251 = arith.constant 0 : index
    %swap3A_252 = tpu.vector_load %arg5[%swap3A_250, %swap3A_251] {strides = array<i32>} : memref<2x32xi32, #tpu.memory_space<vmem>>, vector<1x16xi32>,
    %swap3A_253 = vector.shape_cast %swap3A_252 : vector<1x16xi32> to vector<16xi32>
    %swap3A_254 = vector.shape_cast %add3A_248 : vector<16xi32> to vector<1x16xi32>
    tpu.vector_store %arg5[%swap3A_250, %swap3A_251], %swap3A_254 {strides = array<i32>} : memref<2x32xi32, #tpu.memory_space<vmem>>, vector<1x16xi32>,
    %add3A_255 = arith.constant 96 : i32
    %add3A_256 = arith.addi %mul3A_5, %add3A_255 : i32
    %add3A_257 = arith.constant 16 : i32
    %add3A_258 = arith.addi %add3A_256, %add3A_257 : i32
    %add3A_259 = vector.broadcast %add3A_258 : i32 to vector<16xi32>
    %add3A_260 = arith.addi %add3A_259, %iota3A : vector<16xi32>
    %mul3A_261 = arith.constant 8192 : i32
    %mul3A_262 = arith.muli %div3A_1, %mul3A_261 : i32
    %mul3A_263 = arith.constant 4 : i32
    %mul3A_264 = vector.broadcast %mul3A_263 : i32 to vector<16xi32>
    %mul3A_265 = arith.muli %add3A_260, %mul3A_264 : vector<16xi32>
    %add3A_266 = vector.broadcast %mul3A_262 : i32 to vector<16xi32>
    %add3A_267 = arith.addi %add3A_266, %mul3A_265 : vector<16xi32>
    %swap3A_268 = arith.constant 1 : i32
    %swap3A_269 = arith.index_cast %swap3A_268 : i32 to index
    %swap3A_270 = arith.constant 16 : index
    %swap3A_271 = tpu.vector_load %arg5[%swap3A_269, %swap3A_270] {strides = array<i32>} : memref<2x32xi32, #tpu.memory_space<vmem>>, vector<1x16xi32>,
    %swap3A_272 = vector.shape_cast %swap3A_271 : vector<1x16xi32> to vector<16xi32>
    %swap3A_273 = vector.shape_cast %add3A_267 : vector<16xi32> to vector<1x16xi32>
    tpu.vector_store %arg5[%swap3A_269, %swap3A_270], %swap3A_273 {strides = array<i32>} : memref<2x32xi32, #tpu.memory_space<vmem>>, vector<1x16xi32>,
    %dma_wait3A_274 = arith.constant 1 : i32
    %dma_wait3A_275 = arith.constant 0 : i32
    %dma_wait3A_276 = arith.constant 0 : i32
    %dma_wait3A_277 = tpu.memref_slice %arg6[%dma_wait3A_274, %dma_wait3A_275, %dma_wait3A_276] : memref<2x32x1024xf32, #tpu.memory_space<vmem>> -> memref<1x32x1024xf32, #tpu.memory_space<vmem>>
    %dma_wait3A_278 = tpu.memref_squeeze %dma_wait3A_277 : memref<1x32x1024xf32, #tpu.memory_space<vmem>> -> memref<32x1024xf32, #tpu.memory_space<vmem>>
    %dma_wait3A_279 = arith.constant 0 : i32
    %dma_wait3A_280 = tpu.memref_slice %arg3[%div3A_1, %add3A_220, %dma_wait3A_279] : memref<4x2049x1024xf32, #tpu.memory_space<hbm>> -> memref<1x32x1024xf32, #tpu.memory_space<hbm>>
    %dma_wait3A_281 = tpu.memref_squeeze %dma_wait3A_280 : memref<1x32x1024xf32, #tpu.memory_space<hbm>> -> memref<32x1024xf32, #tpu.memory_space<hbm>>
    %dma_wait3A_282 = arith.constant 0 : i32
    %dma_wait3A_283 = tpu.memref_slice %arg3[%div3A_1, %add3A_220, %dma_wait3A_282] : memref<4x2049x1024xf32, #tpu.memory_space<hbm>> -> memref<1x32x1024xf32, #tpu.memory_space<hbm>>
    %dma_wait3A_284 = tpu.memref_squeeze %dma_wait3A_283 : memref<1x32x1024xf32, #tpu.memory_space<hbm>> -> memref<32x1024xf32, #tpu.memory_space<hbm>>
    %dma_wait3A_285 = arith.constant 0 : i32
    %dma_wait3A_286 = arith.constant 0 : i32
    %dma_wait3A_287 = tpu.memref_slice %arg6[%dma_wait3A_274, %dma_wait3A_285, %dma_wait3A_286] : memref<2x32x1024xf32, #tpu.memory_space<vmem>> -> memref<1x32x1024xf32, #tpu.memory_space<vmem>>
    %dma_wait3A_288 = tpu.memref_squeeze %dma_wait3A_287 : memref<1x32x1024xf32, #tpu.memory_space<vmem>> -> memref<32x1024xf32, #tpu.memory_space<vmem>>
    tpu.wait_dma2 semaphore(%arg12 : memref<!tpu.dma_semaphore, #tpu.memory_space<semaphore_mem>>) src(%dma_wait3A_288 : memref<32x1024xf32, #tpu.memory_space<vmem>>) dst(%dma_wait3A_284 : memref<32x1024xf32, #tpu.memory_space<hbm>>)
    %dma_start3A_289 = arith.constant 1 : i32
    %dma_start3A_290 = arith.constant 1 : i32
    %dma_start3A_291 = arith.constant 0 : i32
    %dma_start3A_292 = arith.constant 0 : i32
    %dma_start3A_293 = tpu.memref_slice %arg6[%dma_start3A_290, %dma_start3A_291, %dma_start3A_292] : memref<2x32x1024xf32, #tpu.memory_space<vmem>> -> memref<1x32x1024xf32, #tpu.memory_space<vmem>>
    %dma_start3A_294 = tpu.memref_squeeze %dma_start3A_293 : memref<1x32x1024xf32, #tpu.memory_space<vmem>> -> memref<32x1024xf32, #tpu.memory_space<vmem>>
    %dma_start3A_295 = arith.constant 0 : i32
    %dma_start3A_296 = tpu.memref_slice %arg5[%dma_start3A_289, %dma_start3A_295] : memref<2x32xi32, #tpu.memory_space<vmem>> -> memref<1x32xi32, #tpu.memory_space<vmem>>
    %dma_start3A_297 = tpu.memref_squeeze %dma_start3A_296 : memref<1x32xi32, #tpu.memory_space<vmem>> -> memref<32xi32, #tpu.memory_space<vmem>>
    %dma_start3A_298 = arith.constant 0 : i32
    %dma_start3A_299 = arith.constant 0 : i32
    %dma_start3A_300 = tpu.memref_slice %arg2[%dma_start3A_298, %dma_start3A_299] : memref<32768x1024xf32, #tpu.memory_space<hbm>> -> memref<32768x1024xf32, #tpu.memory_space<hbm>>
    tpu.enqueue_indirect_dma source(%dma_start3A_300 : memref<32768x1024xf32, #tpu.memory_space<hbm>>) target(%dma_start3A_294 : memref<32x1024xf32, #tpu.memory_space<vmem>>) offsets(%dma_start3A_297 : memref<32xi32, #tpu.memory_space<vmem>>) semaphore(%arg10 : memref<!tpu.dma_semaphore, #tpu.memory_space<semaphore_mem>>)
    %dma_wait3A_301 = arith.constant 0 : i32
    %dma_wait3A_302 = arith.constant 0 : i32
    %dma_wait3A_303 = arith.constant 0 : i32
    %dma_wait3A_304 = arith.constant 0 : i32
    %dma_wait3A_305 = tpu.memref_slice %arg6[%dma_wait3A_302, %dma_wait3A_303, %dma_wait3A_304] : memref<2x32x1024xf32, #tpu.memory_space<vmem>> -> memref<1x32x1024xf32, #tpu.memory_space<vmem>>
    %dma_wait3A_306 = tpu.memref_squeeze %dma_wait3A_305 : memref<1x32x1024xf32, #tpu.memory_space<vmem>> -> memref<32x1024xf32, #tpu.memory_space<vmem>>
    %dma_wait3A_307 = arith.constant 0 : i32
    %dma_wait3A_308 = tpu.memref_slice %arg5[%dma_wait3A_301, %dma_wait3A_307] : memref<2x32xi32, #tpu.memory_space<vmem>> -> memref<1x32xi32, #tpu.memory_space<vmem>>
    %dma_wait3A_309 = tpu.memref_squeeze %dma_wait3A_308 : memref<1x32xi32, #tpu.memory_space<vmem>> -> memref<32xi32, #tpu.memory_space<vmem>>
    %dma_wait3A_310 = arith.constant 0 : i32
    %dma_wait3A_311 = arith.constant 0 : i32
    %dma_wait3A_312 = tpu.memref_slice %arg2[%dma_wait3A_310, %dma_wait3A_311] : memref<32768x1024xf32, #tpu.memory_space<hbm>> -> memref<32768x1024xf32, #tpu.memory_space<hbm>>
    tpu.wait_indirect_dma semaphore(%arg9 : memref<!tpu.dma_semaphore, #tpu.memory_space<semaphore_mem>>) src(%dma_wait3A_312 : memref<32768x1024xf32, #tpu.memory_space<hbm>>) dst(%dma_wait3A_306 : memref<32x1024xf32, #tpu.memory_space<vmem>>)
    %add3A_313 = arith.constant 64 : i32
    %add3A_314 = arith.addi %mul3A_5, %add3A_313 : i32
    %dma_start3A_315 = arith.constant 0 : i32
    %dma_start3A_316 = arith.constant 0 : i32
    %dma_start3A_317 = arith.constant 0 : i32
    %dma_start3A_318 = tpu.memref_slice %arg6[%dma_start3A_315, %dma_start3A_316, %dma_start3A_317] : memref<2x32x1024xf32, #tpu.memory_space<vmem>> -> memref<1x32x1024xf32, #tpu.memory_space<vmem>>
    %dma_start3A_319 = tpu.memref_squeeze %dma_start3A_318 : memref<1x32x1024xf32, #tpu.memory_space<vmem>> -> memref<32x1024xf32, #tpu.memory_space<vmem>>
    %dma_start3A_320 = arith.constant 0 : i32
    %dma_start3A_321 = tpu.memref_slice %arg3[%div3A_1, %add3A_314, %dma_start3A_320] : memref<4x2049x1024xf32, #tpu.memory_space<hbm>> -> memref<1x32x1024xf32, #tpu.memory_space<hbm>>
    %dma_start3A_322 = tpu.memref_squeeze %dma_start3A_321 : memref<1x32x1024xf32, #tpu.memory_space<hbm>> -> memref<32x1024xf32, #tpu.memory_space<hbm>>
    %dma_start3A_323 = arith.constant 0 : i32
    %dma_start3A_324 = tpu.memref_slice %arg3[%div3A_1, %add3A_314, %dma_start3A_323] : memref<4x2049x1024xf32, #tpu.memory_space<hbm>> -> memref<1x32x1024xf32, #tpu.memory_space<hbm>>
    %dma_start3A_325 = tpu.memref_squeeze %dma_start3A_324 : memref<1x32x1024xf32, #tpu.memory_space<hbm>> -> memref<32x1024xf32, #tpu.memory_space<hbm>>
    %dma_start3A_326 = arith.constant 0 : i32
    %dma_start3A_327 = arith.constant 0 : i32
    %dma_start3A_328 = tpu.memref_slice %arg6[%dma_start3A_315, %dma_start3A_326, %dma_start3A_327] : memref<2x32x1024xf32, #tpu.memory_space<vmem>> -> memref<1x32x1024xf32, #tpu.memory_space<vmem>>
    %dma_start3A_329 = tpu.memref_squeeze %dma_start3A_328 : memref<1x32x1024xf32, #tpu.memory_space<vmem>> -> memref<32x1024xf32, #tpu.memory_space<vmem>>
    tpu.enqueue_dma source(%dma_start3A_329 : memref<32x1024xf32, #tpu.memory_space<vmem>>) target(%dma_start3A_325 : memref<32x1024xf32, #tpu.memory_space<hbm>>) target_semaphore(%arg11 : memref<!tpu.dma_semaphore, #tpu.memory_space<semaphore_mem>>)
    %add3A_330 = arith.constant 128 : i32
    %add3A_331 = arith.addi %mul3A_5, %add3A_330 : i32
    %add3A_332 = arith.constant 0 : i32
    %add3A_333 = arith.addi %add3A_331, %add3A_332 : i32
    %add3A_334 = vector.broadcast %add3A_333 : i32 to vector<16xi32>
    %add3A_335 = arith.addi %add3A_334, %iota3A : vector<16xi32>
    %mul3A_336 = arith.constant 8192 : i32
    %mul3A_337 = arith.muli %div3A_1, %mul3A_336 : i32
    %mul3A_338 = arith.constant 4 : i32
    %mul3A_339 = vector.broadcast %mul3A_338 : i32 to vector<16xi32>
    %mul3A_340 = arith.muli %add3A_335, %mul3A_339 : vector<16xi32>
    %add3A_341 = vector.broadcast %mul3A_337 : i32 to vector<16xi32>
    %add3A_342 = arith.addi %add3A_341, %mul3A_340 : vector<16xi32>
    %swap3A_343 = arith.constant 0 : i32
    %swap3A_344 = arith.index_cast %swap3A_343 : i32 to index
    %swap3A_345 = arith.constant 0 : index
    %swap3A_346 = tpu.vector_load %arg5[%swap3A_344, %swap3A_345] {strides = array<i32>} : memref<2x32xi32, #tpu.memory_space<vmem>>, vector<1x16xi32>,
    %swap3A_347 = vector.shape_cast %swap3A_346 : vector<1x16xi32> to vector<16xi32>
    %swap3A_348 = vector.shape_cast %add3A_342 : vector<16xi32> to vector<1x16xi32>
    tpu.vector_store %arg5[%swap3A_344, %swap3A_345], %swap3A_348 {strides = array<i32>} : memref<2x32xi32, #tpu.memory_space<vmem>>, vector<1x16xi32>,
    %add3A_349 = arith.constant 128 : i32
    %add3A_350 = arith.addi %mul3A_5, %add3A_349 : i32
    %add3A_351 = arith.constant 16 : i32
    %add3A_352 = arith.addi %add3A_350, %add3A_351 : i32
    %add3A_353 = vector.broadcast %add3A_352 : i32 to vector<16xi32>
    %add3A_354 = arith.addi %add3A_353, %iota3A : vector<16xi32>
    %mul3A_355 = arith.constant 8192 : i32
    %mul3A_356 = arith.muli %div3A_1, %mul3A_355 : i32
    %mul3A_357 = arith.constant 4 : i32
    %mul3A_358 = vector.broadcast %mul3A_357 : i32 to vector<16xi32>
    %mul3A_359 = arith.muli %add3A_354, %mul3A_358 : vector<16xi32>
    %add3A_360 = vector.broadcast %mul3A_356 : i32 to vector<16xi32>
    %add3A_361 = arith.addi %add3A_360, %mul3A_359 : vector<16xi32>
    %swap3A_362 = arith.constant 0 : i32
    %swap3A_363 = arith.index_cast %swap3A_362 : i32 to index
    %swap3A_364 = arith.constant 16 : index
    %swap3A_365 = tpu.vector_load %arg5[%swap3A_363, %swap3A_364] {strides = array<i32>} : memref<2x32xi32, #tpu.memory_space<vmem>>, vector<1x16xi32>,
    %swap3A_366 = vector.shape_cast %swap3A_365 : vector<1x16xi32> to vector<16xi32>
    %swap3A_367 = vector.shape_cast %add3A_361 : vector<16xi32> to vector<1x16xi32>
    tpu.vector_store %arg5[%swap3A_363, %swap3A_364], %swap3A_367 {strides = array<i32>} : memref<2x32xi32, #tpu.memory_space<vmem>>, vector<1x16xi32>,
    %dma_wait3A_368 = arith.constant 0 : i32
    %dma_wait3A_369 = arith.constant 0 : i32
    %dma_wait3A_370 = arith.constant 0 : i32
    %dma_wait3A_371 = tpu.memref_slice %arg6[%dma_wait3A_368, %dma_wait3A_369, %dma_wait3A_370] : memref<2x32x1024xf32, #tpu.memory_space<vmem>> -> memref<1x32x1024xf32, #tpu.memory_space<vmem>>
    %dma_wait3A_372 = tpu.memref_squeeze %dma_wait3A_371 : memref<1x32x1024xf32, #tpu.memory_space<vmem>> -> memref<32x1024xf32, #tpu.memory_space<vmem>>
    %dma_wait3A_373 = arith.constant 0 : i32
    %dma_wait3A_374 = tpu.memref_slice %arg3[%div3A_1, %add3A_314, %dma_wait3A_373] : memref<4x2049x1024xf32, #tpu.memory_space<hbm>> -> memref<1x32x1024xf32, #tpu.memory_space<hbm>>
    %dma_wait3A_375 = tpu.memref_squeeze %dma_wait3A_374 : memref<1x32x1024xf32, #tpu.memory_space<hbm>> -> memref<32x1024xf32, #tpu.memory_space<hbm>>
    %dma_wait3A_376 = arith.constant 0 : i32
    %dma_wait3A_377 = tpu.memref_slice %arg3[%div3A_1, %add3A_314, %dma_wait3A_376] : memref<4x2049x1024xf32, #tpu.memory_space<hbm>> -> memref<1x32x1024xf32, #tpu.memory_space<hbm>>
    %dma_wait3A_378 = tpu.memref_squeeze %dma_wait3A_377 : memref<1x32x1024xf32, #tpu.memory_space<hbm>> -> memref<32x1024xf32, #tpu.memory_space<hbm>>
    %dma_wait3A_379 = arith.constant 0 : i32
    %dma_wait3A_380 = arith.constant 0 : i32
    %dma_wait3A_381 = tpu.memref_slice %arg6[%dma_wait3A_368, %dma_wait3A_379, %dma_wait3A_380] : memref<2x32x1024xf32, #tpu.memory_space<vmem>> -> memref<1x32x1024xf32, #tpu.memory_space<vmem>>
    %dma_wait3A_382 = tpu.memref_squeeze %dma_wait3A_381 : memref<1x32x1024xf32, #tpu.memory_space<vmem>> -> memref<32x1024xf32, #tpu.memory_space<vmem>>
    tpu.wait_dma2 semaphore(%arg11 : memref<!tpu.dma_semaphore, #tpu.memory_space<semaphore_mem>>) src(%dma_wait3A_382 : memref<32x1024xf32, #tpu.memory_space<vmem>>) dst(%dma_wait3A_378 : memref<32x1024xf32, #tpu.memory_space<hbm>>)
    %dma_start3A_383 = arith.constant 0 : i32
    %dma_start3A_384 = arith.constant 0 : i32
    %dma_start3A_385 = arith.constant 0 : i32
    %dma_start3A_386 = arith.constant 0 : i32
    %dma_start3A_387 = tpu.memref_slice %arg6[%dma_start3A_384, %dma_start3A_385, %dma_start3A_386] : memref<2x32x1024xf32, #tpu.memory_space<vmem>> -> memref<1x32x1024xf32, #tpu.memory_space<vmem>>
    %dma_start3A_388 = tpu.memref_squeeze %dma_start3A_387 : memref<1x32x1024xf32, #tpu.memory_space<vmem>> -> memref<32x1024xf32, #tpu.memory_space<vmem>>
    %dma_start3A_389 = arith.constant 0 : i32
    %dma_start3A_390 = tpu.memref_slice %arg5[%dma_start3A_383, %dma_start3A_389] : memref<2x32xi32, #tpu.memory_space<vmem>> -> memref<1x32xi32, #tpu.memory_space<vmem>>
    %dma_start3A_391 = tpu.memref_squeeze %dma_start3A_390 : memref<1x32xi32, #tpu.memory_space<vmem>> -> memref<32xi32, #tpu.memory_space<vmem>>
    %dma_start3A_392 = arith.constant 0 : i32
    %dma_start3A_393 = arith.constant 0 : i32
    %dma_start3A_394 = tpu.memref_slice %arg2[%dma_start3A_392, %dma_start3A_393] : memref<32768x1024xf32, #tpu.memory_space<hbm>> -> memref<32768x1024xf32, #tpu.memory_space<hbm>>
    tpu.enqueue_indirect_dma source(%dma_start3A_394 : memref<32768x1024xf32, #tpu.memory_space<hbm>>) target(%dma_start3A_388 : memref<32x1024xf32, #tpu.memory_space<vmem>>) offsets(%dma_start3A_391 : memref<32xi32, #tpu.memory_space<vmem>>) semaphore(%arg9 : memref<!tpu.dma_semaphore, #tpu.memory_space<semaphore_mem>>)
    %dma_wait3A_395 = arith.constant 1 : i32
    %dma_wait3A_396 = arith.constant 1 : i32
    %dma_wait3A_397 = arith.constant 0 : i32
    %dma_wait3A_398 = arith.constant 0 : i32
    %dma_wait3A_399 = tpu.memref_slice %arg6[%dma_wait3A_396, %dma_wait3A_397, %dma_wait3A_398] : memref<2x32x1024xf32, #tpu.memory_space<vmem>> -> memref<1x32x1024xf32, #tpu.memory_space<vmem>>
    %dma_wait3A_400 = tpu.memref_squeeze %dma_wait3A_399 : memref<1x32x1024xf32, #tpu.memory_space<vmem>> -> memref<32x1024xf32, #tpu.memory_space<vmem>>
    %dma_wait3A_401 = arith.constant 0 : i32
    %dma_wait3A_402 = tpu.memref_slice %arg5[%dma_wait3A_395, %dma_wait3A_401] : memref<2x32xi32, #tpu.memory_space<vmem>> -> memref<1x32xi32, #tpu.memory_space<vmem>>
    %dma_wait3A_403 = tpu.memref_squeeze %dma_wait3A_402 : memref<1x32xi32, #tpu.memory_space<vmem>> -> memref<32xi32, #tpu.memory_space<vmem>>
    %dma_wait3A_404 = arith.constant 0 : i32
    %dma_wait3A_405 = arith.constant 0 : i32
    %dma_wait3A_406 = tpu.memref_slice %arg2[%dma_wait3A_404, %dma_wait3A_405] : memref<32768x1024xf32, #tpu.memory_space<hbm>> -> memref<32768x1024xf32, #tpu.memory_space<hbm>>
    tpu.wait_indirect_dma semaphore(%arg10 : memref<!tpu.dma_semaphore, #tpu.memory_space<semaphore_mem>>) src(%dma_wait3A_406 : memref<32768x1024xf32, #tpu.memory_space<hbm>>) dst(%dma_wait3A_400 : memref<32x1024xf32, #tpu.memory_space<vmem>>)
    %add3A_407 = arith.constant 96 : i32
    %add3A_408 = arith.addi %mul3A_5, %add3A_407 : i32
    %dma_start3A_409 = arith.constant 1 : i32
    %dma_start3A_410 = arith.constant 0 : i32
    %dma_start3A_411 = arith.constant 0 : i32
    %dma_start3A_412 = tpu.memref_slice %arg6[%dma_start3A_409, %dma_start3A_410, %dma_start3A_411] : memref<2x32x1024xf32, #tpu.memory_space<vmem>> -> memref<1x32x1024xf32, #tpu.memory_space<vmem>>
    %dma_start3A_413 = tpu.memref_squeeze %dma_start3A_412 : memref<1x32x1024xf32, #tpu.memory_space<vmem>> -> memref<32x1024xf32, #tpu.memory_space<vmem>>
    %dma_start3A_414 = arith.constant 0 : i32
    %dma_start3A_415 = tpu.memref_slice %arg3[%div3A_1, %add3A_408, %dma_start3A_414] : memref<4x2049x1024xf32, #tpu.memory_space<hbm>> -> memref<1x32x1024xf32, #tpu.memory_space<hbm>>
    %dma_start3A_416 = tpu.memref_squeeze %dma_start3A_415 : memref<1x32x1024xf32, #tpu.memory_space<hbm>> -> memref<32x1024xf32, #tpu.memory_space<hbm>>
    %dma_start3A_417 = arith.constant 0 : i32
    %dma_start3A_418 = tpu.memref_slice %arg3[%div3A_1, %add3A_408, %dma_start3A_417] : memref<4x2049x1024xf32, #tpu.memory_space<hbm>> -> memref<1x32x1024xf32, #tpu.memory_space<hbm>>
    %dma_start3A_419 = tpu.memref_squeeze %dma_start3A_418 : memref<1x32x1024xf32, #tpu.memory_space<hbm>> -> memref<32x1024xf32, #tpu.memory_space<hbm>>
    %dma_start3A_420 = arith.constant 0 : i32
    %dma_start3A_421 = arith.constant 0 : i32
    %dma_start3A_422 = tpu.memref_slice %arg6[%dma_start3A_409, %dma_start3A_420, %dma_start3A_421] : memref<2x32x1024xf32, #tpu.memory_space<vmem>> -> memref<1x32x1024xf32, #tpu.memory_space<vmem>>
    %dma_start3A_423 = tpu.memref_squeeze %dma_start3A_422 : memref<1x32x1024xf32, #tpu.memory_space<vmem>> -> memref<32x1024xf32, #tpu.memory_space<vmem>>
    tpu.enqueue_dma source(%dma_start3A_423 : memref<32x1024xf32, #tpu.memory_space<vmem>>) target(%dma_start3A_419 : memref<32x1024xf32, #tpu.memory_space<hbm>>) target_semaphore(%arg12 : memref<!tpu.dma_semaphore, #tpu.memory_space<semaphore_mem>>)
    %add3A_424 = arith.constant 160 : i32
    %add3A_425 = arith.addi %mul3A_5, %add3A_424 : i32
    %add3A_426 = arith.constant 0 : i32
    %add3A_427 = arith.addi %add3A_425, %add3A_426 : i32
    %add3A_428 = vector.broadcast %add3A_427 : i32 to vector<16xi32>
    %add3A_429 = arith.addi %add3A_428, %iota3A : vector<16xi32>
    %mul3A_430 = arith.constant 8192 : i32
    %mul3A_431 = arith.muli %div3A_1, %mul3A_430 : i32
    %mul3A_432 = arith.constant 4 : i32
    %mul3A_433 = vector.broadcast %mul3A_432 : i32 to vector<16xi32>
    %mul3A_434 = arith.muli %add3A_429, %mul3A_433 : vector<16xi32>
    %add3A_435 = vector.broadcast %mul3A_431 : i32 to vector<16xi32>
    %add3A_436 = arith.addi %add3A_435, %mul3A_434 : vector<16xi32>
    %swap3A_437 = arith.constant 1 : i32
    %swap3A_438 = arith.index_cast %swap3A_437 : i32 to index
    %swap3A_439 = arith.constant 0 : index
    %swap3A_440 = tpu.vector_load %arg5[%swap3A_438, %swap3A_439] {strides = array<i32>} : memref<2x32xi32, #tpu.memory_space<vmem>>, vector<1x16xi32>,
    %swap3A_441 = vector.shape_cast %swap3A_440 : vector<1x16xi32> to vector<16xi32>
    %swap3A_442 = vector.shape_cast %add3A_436 : vector<16xi32> to vector<1x16xi32>
    tpu.vector_store %arg5[%swap3A_438, %swap3A_439], %swap3A_442 {strides = array<i32>} : memref<2x32xi32, #tpu.memory_space<vmem>>, vector<1x16xi32>,
    %add3A_443 = arith.constant 160 : i32
    %add3A_444 = arith.addi %mul3A_5, %add3A_443 : i32
    %add3A_445 = arith.constant 16 : i32
    %add3A_446 = arith.addi %add3A_444, %add3A_445 : i32
    %add3A_447 = vector.broadcast %add3A_446 : i32 to vector<16xi32>
    %add3A_448 = arith.addi %add3A_447, %iota3A : vector<16xi32>
    %mul3A_449 = arith.constant 8192 : i32
    %mul3A_450 = arith.muli %div3A_1, %mul3A_449 : i32
    %mul3A_451 = arith.constant 4 : i32
    %mul3A_452 = vector.broadcast %mul3A_451 : i32 to vector<16xi32>
    %mul3A_453 = arith.muli %add3A_448, %mul3A_452 : vector<16xi32>
    %add3A_454 = vector.broadcast %mul3A_450 : i32 to vector<16xi32>
    %add3A_455 = arith.addi %add3A_454, %mul3A_453 : vector<16xi32>
    %swap3A_456 = arith.constant 1 : i32
    %swap3A_457 = arith.index_cast %swap3A_456 : i32 to index
    %swap3A_458 = arith.constant 16 : index
    %swap3A_459 = tpu.vector_load %arg5[%swap3A_457, %swap3A_458] {strides = array<i32>} : memref<2x32xi32, #tpu.memory_space<vmem>>, vector<1x16xi32>,
    %swap3A_460 = vector.shape_cast %swap3A_459 : vector<1x16xi32> to vector<16xi32>
    %swap3A_461 = vector.shape_cast %add3A_455 : vector<16xi32> to vector<1x16xi32>
    tpu.vector_store %arg5[%swap3A_457, %swap3A_458], %swap3A_461 {strides = array<i32>} : memref<2x32xi32, #tpu.memory_space<vmem>>, vector<1x16xi32>,
    %dma_wait3A_462 = arith.constant 1 : i32
    %dma_wait3A_463 = arith.constant 0 : i32
    %dma_wait3A_464 = arith.constant 0 : i32
    %dma_wait3A_465 = tpu.memref_slice %arg6[%dma_wait3A_462, %dma_wait3A_463, %dma_wait3A_464] : memref<2x32x1024xf32, #tpu.memory_space<vmem>> -> memref<1x32x1024xf32, #tpu.memory_space<vmem>>
    %dma_wait3A_466 = tpu.memref_squeeze %dma_wait3A_465 : memref<1x32x1024xf32, #tpu.memory_space<vmem>> -> memref<32x1024xf32, #tpu.memory_space<vmem>>
    %dma_wait3A_467 = arith.constant 0 : i32
    %dma_wait3A_468 = tpu.memref_slice %arg3[%div3A_1, %add3A_408, %dma_wait3A_467] : memref<4x2049x1024xf32, #tpu.memory_space<hbm>> -> memref<1x32x1024xf32, #tpu.memory_space<hbm>>
    %dma_wait3A_469 = tpu.memref_squeeze %dma_wait3A_468 : memref<1x32x1024xf32, #tpu.memory_space<hbm>> -> memref<32x1024xf32, #tpu.memory_space<hbm>>
    %dma_wait3A_470 = arith.constant 0 : i32
    %dma_wait3A_471 = tpu.memref_slice %arg3[%div3A_1, %add3A_408, %dma_wait3A_470] : memref<4x2049x1024xf32, #tpu.memory_space<hbm>> -> memref<1x32x1024xf32, #tpu.memory_space<hbm>>
    %dma_wait3A_472 = tpu.memref_squeeze %dma_wait3A_471 : memref<1x32x1024xf32, #tpu.memory_space<hbm>> -> memref<32x1024xf32, #tpu.memory_space<hbm>>
    %dma_wait3A_473 = arith.constant 0 : i32
    %dma_wait3A_474 = arith.constant 0 : i32
    %dma_wait3A_475 = tpu.memref_slice %arg6[%dma_wait3A_462, %dma_wait3A_473, %dma_wait3A_474] : memref<2x32x1024xf32, #tpu.memory_space<vmem>> -> memref<1x32x1024xf32, #tpu.memory_space<vmem>>
    %dma_wait3A_476 = tpu.memref_squeeze %dma_wait3A_475 : memref<1x32x1024xf32, #tpu.memory_space<vmem>> -> memref<32x1024xf32, #tpu.memory_space<vmem>>
    tpu.wait_dma2 semaphore(%arg12 : memref<!tpu.dma_semaphore, #tpu.memory_space<semaphore_mem>>) src(%dma_wait3A_476 : memref<32x1024xf32, #tpu.memory_space<vmem>>) dst(%dma_wait3A_472 : memref<32x1024xf32, #tpu.memory_space<hbm>>)
    %dma_start3A_477 = arith.constant 1 : i32
    %dma_start3A_478 = arith.constant 1 : i32
    %dma_start3A_479 = arith.constant 0 : i32
    %dma_start3A_480 = arith.constant 0 : i32
    %dma_start3A_481 = tpu.memref_slice %arg6[%dma_start3A_478, %dma_start3A_479, %dma_start3A_480] : memref<2x32x1024xf32, #tpu.memory_space<vmem>> -> memref<1x32x1024xf32, #tpu.memory_space<vmem>>
    %dma_start3A_482 = tpu.memref_squeeze %dma_start3A_481 : memref<1x32x1024xf32, #tpu.memory_space<vmem>> -> memref<32x1024xf32, #tpu.memory_space<vmem>>
    %dma_start3A_483 = arith.constant 0 : i32
    %dma_start3A_484 = tpu.memref_slice %arg5[%dma_start3A_477, %dma_start3A_483] : memref<2x32xi32, #tpu.memory_space<vmem>> -> memref<1x32xi32, #tpu.memory_space<vmem>>
    %dma_start3A_485 = tpu.memref_squeeze %dma_start3A_484 : memref<1x32xi32, #tpu.memory_space<vmem>> -> memref<32xi32, #tpu.memory_space<vmem>>
    %dma_start3A_486 = arith.constant 0 : i32
    %dma_start3A_487 = arith.constant 0 : i32
    %dma_start3A_488 = tpu.memref_slice %arg2[%dma_start3A_486, %dma_start3A_487] : memref<32768x1024xf32, #tpu.memory_space<hbm>> -> memref<32768x1024xf32, #tpu.memory_space<hbm>>
    tpu.enqueue_indirect_dma source(%dma_start3A_488 : memref<32768x1024xf32, #tpu.memory_space<hbm>>) target(%dma_start3A_482 : memref<32x1024xf32, #tpu.memory_space<vmem>>) offsets(%dma_start3A_485 : memref<32xi32, #tpu.memory_space<vmem>>) semaphore(%arg10 : memref<!tpu.dma_semaphore, #tpu.memory_space<semaphore_mem>>)
    %dma_wait3A_489 = arith.constant 0 : i32
    %dma_wait3A_490 = arith.constant 0 : i32
    %dma_wait3A_491 = arith.constant 0 : i32
    %dma_wait3A_492 = arith.constant 0 : i32
    %dma_wait3A_493 = tpu.memref_slice %arg6[%dma_wait3A_490, %dma_wait3A_491, %dma_wait3A_492] : memref<2x32x1024xf32, #tpu.memory_space<vmem>> -> memref<1x32x1024xf32, #tpu.memory_space<vmem>>
    %dma_wait3A_494 = tpu.memref_squeeze %dma_wait3A_493 : memref<1x32x1024xf32, #tpu.memory_space<vmem>> -> memref<32x1024xf32, #tpu.memory_space<vmem>>
    %dma_wait3A_495 = arith.constant 0 : i32
    %dma_wait3A_496 = tpu.memref_slice %arg5[%dma_wait3A_489, %dma_wait3A_495] : memref<2x32xi32, #tpu.memory_space<vmem>> -> memref<1x32xi32, #tpu.memory_space<vmem>>
    %dma_wait3A_497 = tpu.memref_squeeze %dma_wait3A_496 : memref<1x32xi32, #tpu.memory_space<vmem>> -> memref<32xi32, #tpu.memory_space<vmem>>
    %dma_wait3A_498 = arith.constant 0 : i32
    %dma_wait3A_499 = arith.constant 0 : i32
    %dma_wait3A_500 = tpu.memref_slice %arg2[%dma_wait3A_498, %dma_wait3A_499] : memref<32768x1024xf32, #tpu.memory_space<hbm>> -> memref<32768x1024xf32, #tpu.memory_space<hbm>>
    tpu.wait_indirect_dma semaphore(%arg9 : memref<!tpu.dma_semaphore, #tpu.memory_space<semaphore_mem>>) src(%dma_wait3A_500 : memref<32768x1024xf32, #tpu.memory_space<hbm>>) dst(%dma_wait3A_494 : memref<32x1024xf32, #tpu.memory_space<vmem>>)
    %add3A_501 = arith.constant 128 : i32
    %add3A_502 = arith.addi %mul3A_5, %add3A_501 : i32
    %dma_start3A_503 = arith.constant 0 : i32
    %dma_start3A_504 = arith.constant 0 : i32
    %dma_start3A_505 = arith.constant 0 : i32
    %dma_start3A_506 = tpu.memref_slice %arg6[%dma_start3A_503, %dma_start3A_504, %dma_start3A_505] : memref<2x32x1024xf32, #tpu.memory_space<vmem>> -> memref<1x32x1024xf32, #tpu.memory_space<vmem>>
    %dma_start3A_507 = tpu.memref_squeeze %dma_start3A_506 : memref<1x32x1024xf32, #tpu.memory_space<vmem>> -> memref<32x1024xf32, #tpu.memory_space<vmem>>
    %dma_start3A_508 = arith.constant 0 : i32
    %dma_start3A_509 = tpu.memref_slice %arg3[%div3A_1, %add3A_502, %dma_start3A_508] : memref<4x2049x1024xf32, #tpu.memory_space<hbm>> -> memref<1x32x1024xf32, #tpu.memory_space<hbm>>
    %dma_start3A_510 = tpu.memref_squeeze %dma_start3A_509 : memref<1x32x1024xf32, #tpu.memory_space<hbm>> -> memref<32x1024xf32, #tpu.memory_space<hbm>>
    %dma_start3A_511 = arith.constant 0 : i32
    %dma_start3A_512 = tpu.memref_slice %arg3[%div3A_1, %add3A_502, %dma_start3A_511] : memref<4x2049x1024xf32, #tpu.memory_space<hbm>> -> memref<1x32x1024xf32, #tpu.memory_space<hbm>>
    %dma_start3A_513 = tpu.memref_squeeze %dma_start3A_512 : memref<1x32x1024xf32, #tpu.memory_space<hbm>> -> memref<32x1024xf32, #tpu.memory_space<hbm>>
    %dma_start3A_514 = arith.constant 0 : i32
    %dma_start3A_515 = arith.constant 0 : i32
    %dma_start3A_516 = tpu.memref_slice %arg6[%dma_start3A_503, %dma_start3A_514, %dma_start3A_515] : memref<2x32x1024xf32, #tpu.memory_space<vmem>> -> memref<1x32x1024xf32, #tpu.memory_space<vmem>>
    %dma_start3A_517 = tpu.memref_squeeze %dma_start3A_516 : memref<1x32x1024xf32, #tpu.memory_space<vmem>> -> memref<32x1024xf32, #tpu.memory_space<vmem>>
    tpu.enqueue_dma source(%dma_start3A_517 : memref<32x1024xf32, #tpu.memory_space<vmem>>) target(%dma_start3A_513 : memref<32x1024xf32, #tpu.memory_space<hbm>>) target_semaphore(%arg11 : memref<!tpu.dma_semaphore, #tpu.memory_space<semaphore_mem>>)
    %add3A_518 = arith.constant 192 : i32
    %add3A_519 = arith.addi %mul3A_5, %add3A_518 : i32
    %add3A_520 = arith.constant 0 : i32
    %add3A_521 = arith.addi %add3A_519, %add3A_520 : i32
    %add3A_522 = vector.broadcast %add3A_521 : i32 to vector<16xi32>
    %add3A_523 = arith.addi %add3A_522, %iota3A : vector<16xi32>
    %mul3A_524 = arith.constant 8192 : i32
    %mul3A_525 = arith.muli %div3A_1, %mul3A_524 : i32
    %mul3A_526 = arith.constant 4 : i32
    %mul3A_527 = vector.broadcast %mul3A_526 : i32 to vector<16xi32>
    %mul3A_528 = arith.muli %add3A_523, %mul3A_527 : vector<16xi32>
    %add3A_529 = vector.broadcast %mul3A_525 : i32 to vector<16xi32>
    %add3A_530 = arith.addi %add3A_529, %mul3A_528 : vector<16xi32>
    %swap3A_531 = arith.constant 0 : i32
    %swap3A_532 = arith.index_cast %swap3A_531 : i32 to index
    %swap3A_533 = arith.constant 0 : index
    %swap3A_534 = tpu.vector_load %arg5[%swap3A_532, %swap3A_533] {strides = array<i32>} : memref<2x32xi32, #tpu.memory_space<vmem>>, vector<1x16xi32>,
    %swap3A_535 = vector.shape_cast %swap3A_534 : vector<1x16xi32> to vector<16xi32>
    %swap3A_536 = vector.shape_cast %add3A_530 : vector<16xi32> to vector<1x16xi32>
    tpu.vector_store %arg5[%swap3A_532, %swap3A_533], %swap3A_536 {strides = array<i32>} : memref<2x32xi32, #tpu.memory_space<vmem>>, vector<1x16xi32>,
    %add3A_537 = arith.constant 192 : i32
    %add3A_538 = arith.addi %mul3A_5, %add3A_537 : i32
    %add3A_539 = arith.constant 16 : i32
    %add3A_540 = arith.addi %add3A_538, %add3A_539 : i32
    %add3A_541 = vector.broadcast %add3A_540 : i32 to vector<16xi32>
    %add3A_542 = arith.addi %add3A_541, %iota3A : vector<16xi32>
    %mul3A_543 = arith.constant 8192 : i32
    %mul3A_544 = arith.muli %div3A_1, %mul3A_543 : i32
    %mul3A_545 = arith.constant 4 : i32
    %mul3A_546 = vector.broadcast %mul3A_545 : i32 to vector<16xi32>
    %mul3A_547 = arith.muli %add3A_542, %mul3A_546 : vector<16xi32>
    %add3A_548 = vector.broadcast %mul3A_544 : i32 to vector<16xi32>
    %add3A_549 = arith.addi %add3A_548, %mul3A_547 : vector<16xi32>
    %swap3A_550 = arith.constant 0 : i32
    %swap3A_551 = arith.index_cast %swap3A_550 : i32 to index
    %swap3A_552 = arith.constant 16 : index
    %swap3A_553 = tpu.vector_load %arg5[%swap3A_551, %swap3A_552] {strides = array<i32>} : memref<2x32xi32, #tpu.memory_space<vmem>>, vector<1x16xi32>,
    %swap3A_554 = vector.shape_cast %swap3A_553 : vector<1x16xi32> to vector<16xi32>
    %swap3A_555 = vector.shape_cast %add3A_549 : vector<16xi32> to vector<1x16xi32>
    tpu.vector_store %arg5[%swap3A_551, %swap3A_552], %swap3A_555 {strides = array<i32>} : memref<2x32xi32, #tpu.memory_space<vmem>>, vector<1x16xi32>,
    %dma_wait3A_556 = arith.constant 0 : i32
    %dma_wait3A_557 = arith.constant 0 : i32
    %dma_wait3A_558 = arith.constant 0 : i32
    %dma_wait3A_559 = tpu.memref_slice %arg6[%dma_wait3A_556, %dma_wait3A_557, %dma_wait3A_558] : memref<2x32x1024xf32, #tpu.memory_space<vmem>> -> memref<1x32x1024xf32, #tpu.memory_space<vmem>>
    %dma_wait3A_560 = tpu.memref_squeeze %dma_wait3A_559 : memref<1x32x1024xf32, #tpu.memory_space<vmem>> -> memref<32x1024xf32, #tpu.memory_space<vmem>>
    %dma_wait3A_561 = arith.constant 0 : i32
    %dma_wait3A_562 = tpu.memref_slice %arg3[%div3A_1, %add3A_502, %dma_wait3A_561] : memref<4x2049x1024xf32, #tpu.memory_space<hbm>> -> memref<1x32x1024xf32, #tpu.memory_space<hbm>>
    %dma_wait3A_563 = tpu.memref_squeeze %dma_wait3A_562 : memref<1x32x1024xf32, #tpu.memory_space<hbm>> -> memref<32x1024xf32, #tpu.memory_space<hbm>>
    %dma_wait3A_564 = arith.constant 0 : i32
    %dma_wait3A_565 = tpu.memref_slice %arg3[%div3A_1, %add3A_502, %dma_wait3A_564] : memref<4x2049x1024xf32, #tpu.memory_space<hbm>> -> memref<1x32x1024xf32, #tpu.memory_space<hbm>>
    %dma_wait3A_566 = tpu.memref_squeeze %dma_wait3A_565 : memref<1x32x1024xf32, #tpu.memory_space<hbm>> -> memref<32x1024xf32, #tpu.memory_space<hbm>>
    %dma_wait3A_567 = arith.constant 0 : i32
    %dma_wait3A_568 = arith.constant 0 : i32
    %dma_wait3A_569 = tpu.memref_slice %arg6[%dma_wait3A_556, %dma_wait3A_567, %dma_wait3A_568] : memref<2x32x1024xf32, #tpu.memory_space<vmem>> -> memref<1x32x1024xf32, #tpu.memory_space<vmem>>
    %dma_wait3A_570 = tpu.memref_squeeze %dma_wait3A_569 : memref<1x32x1024xf32, #tpu.memory_space<vmem>> -> memref<32x1024xf32, #tpu.memory_space<vmem>>
    tpu.wait_dma2 semaphore(%arg11 : memref<!tpu.dma_semaphore, #tpu.memory_space<semaphore_mem>>) src(%dma_wait3A_570 : memref<32x1024xf32, #tpu.memory_space<vmem>>) dst(%dma_wait3A_566 : memref<32x1024xf32, #tpu.memory_space<hbm>>)
    %dma_start3A_571 = arith.constant 0 : i32
    %dma_start3A_572 = arith.constant 0 : i32
    %dma_start3A_573 = arith.constant 0 : i32
    %dma_start3A_574 = arith.constant 0 : i32
    %dma_start3A_575 = tpu.memref_slice %arg6[%dma_start3A_572, %dma_start3A_573, %dma_start3A_574] : memref<2x32x1024xf32, #tpu.memory_space<vmem>> -> memref<1x32x1024xf32, #tpu.memory_space<vmem>>
    %dma_start3A_576 = tpu.memref_squeeze %dma_start3A_575 : memref<1x32x1024xf32, #tpu.memory_space<vmem>> -> memref<32x1024xf32, #tpu.memory_space<vmem>>
    %dma_start3A_577 = arith.constant 0 : i32
    %dma_start3A_578 = tpu.memref_slice %arg5[%dma_start3A_571, %dma_start3A_577] : memref<2x32xi32, #tpu.memory_space<vmem>> -> memref<1x32xi32, #tpu.memory_space<vmem>>
    %dma_start3A_579 = tpu.memref_squeeze %dma_start3A_578 : memref<1x32xi32, #tpu.memory_space<vmem>> -> memref<32xi32, #tpu.memory_space<vmem>>
    %dma_start3A_580 = arith.constant 0 : i32
    %dma_start3A_581 = arith.constant 0 : i32
    %dma_start3A_582 = tpu.memref_slice %arg2[%dma_start3A_580, %dma_start3A_581] : memref<32768x1024xf32, #tpu.memory_space<hbm>> -> memref<32768x1024xf32, #tpu.memory_space<hbm>>
    tpu.enqueue_indirect_dma source(%dma_start3A_582 : memref<32768x1024xf32, #tpu.memory_space<hbm>>) target(%dma_start3A_576 : memref<32x1024xf32, #tpu.memory_space<vmem>>) offsets(%dma_start3A_579 : memref<32xi32, #tpu.memory_space<vmem>>) semaphore(%arg9 : memref<!tpu.dma_semaphore, #tpu.memory_space<semaphore_mem>>)
    %dma_wait3A_583 = arith.constant 1 : i32
    %dma_wait3A_584 = arith.constant 1 : i32
    %dma_wait3A_585 = arith.constant 0 : i32
    %dma_wait3A_586 = arith.constant 0 : i32
    %dma_wait3A_587 = tpu.memref_slice %arg6[%dma_wait3A_584, %dma_wait3A_585, %dma_wait3A_586] : memref<2x32x1024xf32, #tpu.memory_space<vmem>> -> memref<1x32x1024xf32, #tpu.memory_space<vmem>>
    %dma_wait3A_588 = tpu.memref_squeeze %dma_wait3A_587 : memref<1x32x1024xf32, #tpu.memory_space<vmem>> -> memref<32x1024xf32, #tpu.memory_space<vmem>>
    %dma_wait3A_589 = arith.constant 0 : i32
    %dma_wait3A_590 = tpu.memref_slice %arg5[%dma_wait3A_583, %dma_wait3A_589] : memref<2x32xi32, #tpu.memory_space<vmem>> -> memref<1x32xi32, #tpu.memory_space<vmem>>
    %dma_wait3A_591 = tpu.memref_squeeze %dma_wait3A_590 : memref<1x32xi32, #tpu.memory_space<vmem>> -> memref<32xi32, #tpu.memory_space<vmem>>
    %dma_wait3A_592 = arith.constant 0 : i32
    %dma_wait3A_593 = arith.constant 0 : i32
    %dma_wait3A_594 = tpu.memref_slice %arg2[%dma_wait3A_592, %dma_wait3A_593] : memref<32768x1024xf32, #tpu.memory_space<hbm>> -> memref<32768x1024xf32, #tpu.memory_space<hbm>>
    tpu.wait_indirect_dma semaphore(%arg10 : memref<!tpu.dma_semaphore, #tpu.memory_space<semaphore_mem>>) src(%dma_wait3A_594 : memref<32768x1024xf32, #tpu.memory_space<hbm>>) dst(%dma_wait3A_588 : memref<32x1024xf32, #tpu.memory_space<vmem>>)
    %add3A_595 = arith.constant 160 : i32
    %add3A_596 = arith.addi %mul3A_5, %add3A_595 : i32
    %dma_start3A_597 = arith.constant 1 : i32
    %dma_start3A_598 = arith.constant 0 : i32
    %dma_start3A_599 = arith.constant 0 : i32
    %dma_start3A_600 = tpu.memref_slice %arg6[%dma_start3A_597, %dma_start3A_598, %dma_start3A_599] : memref<2x32x1024xf32, #tpu.memory_space<vmem>> -> memref<1x32x1024xf32, #tpu.memory_space<vmem>>
    %dma_start3A_601 = tpu.memref_squeeze %dma_start3A_600 : memref<1x32x1024xf32, #tpu.memory_space<vmem>> -> memref<32x1024xf32, #tpu.memory_space<vmem>>
    %dma_start3A_602 = arith.constant 0 : i32
    %dma_start3A_603 = tpu.memref_slice %arg3[%div3A_1, %add3A_596, %dma_start3A_602] : memref<4x2049x1024xf32, #tpu.memory_space<hbm>> -> memref<1x32x1024xf32, #tpu.memory_space<hbm>>
    %dma_start3A_604 = tpu.memref_squeeze %dma_start3A_603 : memref<1x32x1024xf32, #tpu.memory_space<hbm>> -> memref<32x1024xf32, #tpu.memory_space<hbm>>
    %dma_start3A_605 = arith.constant 0 : i32
    %dma_start3A_606 = tpu.memref_slice %arg3[%div3A_1, %add3A_596, %dma_start3A_605] : memref<4x2049x1024xf32, #tpu.memory_space<hbm>> -> memref<1x32x1024xf32, #tpu.memory_space<hbm>>
    %dma_start3A_607 = tpu.memref_squeeze %dma_start3A_606 : memref<1x32x1024xf32, #tpu.memory_space<hbm>> -> memref<32x1024xf32, #tpu.memory_space<hbm>>
    %dma_start3A_608 = arith.constant 0 : i32
    %dma_start3A_609 = arith.constant 0 : i32
    %dma_start3A_610 = tpu.memref_slice %arg6[%dma_start3A_597, %dma_start3A_608, %dma_start3A_609] : memref<2x32x1024xf32, #tpu.memory_space<vmem>> -> memref<1x32x1024xf32, #tpu.memory_space<vmem>>
    %dma_start3A_611 = tpu.memref_squeeze %dma_start3A_610 : memref<1x32x1024xf32, #tpu.memory_space<vmem>> -> memref<32x1024xf32, #tpu.memory_space<vmem>>
    tpu.enqueue_dma source(%dma_start3A_611 : memref<32x1024xf32, #tpu.memory_space<vmem>>) target(%dma_start3A_607 : memref<32x1024xf32, #tpu.memory_space<hbm>>) target_semaphore(%arg12 : memref<!tpu.dma_semaphore, #tpu.memory_space<semaphore_mem>>)
    %add3A_612 = arith.constant 224 : i32
    %add3A_613 = arith.addi %mul3A_5, %add3A_612 : i32
    %add3A_614 = arith.constant 0 : i32
    %add3A_615 = arith.addi %add3A_613, %add3A_614 : i32
    %add3A_616 = vector.broadcast %add3A_615 : i32 to vector<16xi32>
    %add3A_617 = arith.addi %add3A_616, %iota3A : vector<16xi32>
    %mul3A_618 = arith.constant 8192 : i32
    %mul3A_619 = arith.muli %div3A_1, %mul3A_618 : i32
    %mul3A_620 = arith.constant 4 : i32
    %mul3A_621 = vector.broadcast %mul3A_620 : i32 to vector<16xi32>
    %mul3A_622 = arith.muli %add3A_617, %mul3A_621 : vector<16xi32>
    %add3A_623 = vector.broadcast %mul3A_619 : i32 to vector<16xi32>
    %add3A_624 = arith.addi %add3A_623, %mul3A_622 : vector<16xi32>
    %swap3A_625 = arith.constant 1 : i32
    %swap3A_626 = arith.index_cast %swap3A_625 : i32 to index
    %swap3A_627 = arith.constant 0 : index
    %swap3A_628 = tpu.vector_load %arg5[%swap3A_626, %swap3A_627] {strides = array<i32>} : memref<2x32xi32, #tpu.memory_space<vmem>>, vector<1x16xi32>,
    %swap3A_629 = vector.shape_cast %swap3A_628 : vector<1x16xi32> to vector<16xi32>
    %swap3A_630 = vector.shape_cast %add3A_624 : vector<16xi32> to vector<1x16xi32>
    tpu.vector_store %arg5[%swap3A_626, %swap3A_627], %swap3A_630 {strides = array<i32>} : memref<2x32xi32, #tpu.memory_space<vmem>>, vector<1x16xi32>,
    %add3A_631 = arith.constant 224 : i32
    %add3A_632 = arith.addi %mul3A_5, %add3A_631 : i32
    %add3A_633 = arith.constant 16 : i32
    %add3A_634 = arith.addi %add3A_632, %add3A_633 : i32
    %add3A_635 = vector.broadcast %add3A_634 : i32 to vector<16xi32>
    %add3A_636 = arith.addi %add3A_635, %iota3A : vector<16xi32>
    %mul3A_637 = arith.constant 8192 : i32
    %mul3A_638 = arith.muli %div3A_1, %mul3A_637 : i32
    %mul3A_639 = arith.constant 4 : i32
    %mul3A_640 = vector.broadcast %mul3A_639 : i32 to vector<16xi32>
    %mul3A_641 = arith.muli %add3A_636, %mul3A_640 : vector<16xi32>
    %add3A_642 = vector.broadcast %mul3A_638 : i32 to vector<16xi32>
    %add3A_643 = arith.addi %add3A_642, %mul3A_641 : vector<16xi32>
    %swap3A_644 = arith.constant 1 : i32
    %swap3A_645 = arith.index_cast %swap3A_644 : i32 to index
    %swap3A_646 = arith.constant 16 : index
    %swap3A_647 = tpu.vector_load %arg5[%swap3A_645, %swap3A_646] {strides = array<i32>} : memref<2x32xi32, #tpu.memory_space<vmem>>, vector<1x16xi32>,
    %swap3A_648 = vector.shape_cast %swap3A_647 : vector<1x16xi32> to vector<16xi32>
    %swap3A_649 = vector.shape_cast %add3A_643 : vector<16xi32> to vector<1x16xi32>
    tpu.vector_store %arg5[%swap3A_645, %swap3A_646], %swap3A_649 {strides = array<i32>} : memref<2x32xi32, #tpu.memory_space<vmem>>, vector<1x16xi32>,
    %dma_wait3A_650 = arith.constant 1 : i32
    %dma_wait3A_651 = arith.constant 0 : i32
    %dma_wait3A_652 = arith.constant 0 : i32
    %dma_wait3A_653 = tpu.memref_slice %arg6[%dma_wait3A_650, %dma_wait3A_651, %dma_wait3A_652] : memref<2x32x1024xf32, #tpu.memory_space<vmem>> -> memref<1x32x1024xf32, #tpu.memory_space<vmem>>
    %dma_wait3A_654 = tpu.memref_squeeze %dma_wait3A_653 : memref<1x32x1024xf32, #tpu.memory_space<vmem>> -> memref<32x1024xf32, #tpu.memory_space<vmem>>
    %dma_wait3A_655 = arith.constant 0 : i32
    %dma_wait3A_656 = tpu.memref_slice %arg3[%div3A_1, %add3A_596, %dma_wait3A_655] : memref<4x2049x1024xf32, #tpu.memory_space<hbm>> -> memref<1x32x1024xf32, #tpu.memory_space<hbm>>
    %dma_wait3A_657 = tpu.memref_squeeze %dma_wait3A_656 : memref<1x32x1024xf32, #tpu.memory_space<hbm>> -> memref<32x1024xf32, #tpu.memory_space<hbm>>
    %dma_wait3A_658 = arith.constant 0 : i32
    %dma_wait3A_659 = tpu.memref_slice %arg3[%div3A_1, %add3A_596, %dma_wait3A_658] : memref<4x2049x1024xf32, #tpu.memory_space<hbm>> -> memref<1x32x1024xf32, #tpu.memory_space<hbm>>
    %dma_wait3A_660 = tpu.memref_squeeze %dma_wait3A_659 : memref<1x32x1024xf32, #tpu.memory_space<hbm>> -> memref<32x1024xf32, #tpu.memory_space<hbm>>
    %dma_wait3A_661 = arith.constant 0 : i32
    %dma_wait3A_662 = arith.constant 0 : i32
    %dma_wait3A_663 = tpu.memref_slice %arg6[%dma_wait3A_650, %dma_wait3A_661, %dma_wait3A_662] : memref<2x32x1024xf32, #tpu.memory_space<vmem>> -> memref<1x32x1024xf32, #tpu.memory_space<vmem>>
    %dma_wait3A_664 = tpu.memref_squeeze %dma_wait3A_663 : memref<1x32x1024xf32, #tpu.memory_space<vmem>> -> memref<32x1024xf32, #tpu.memory_space<vmem>>
    tpu.wait_dma2 semaphore(%arg12 : memref<!tpu.dma_semaphore, #tpu.memory_space<semaphore_mem>>) src(%dma_wait3A_664 : memref<32x1024xf32, #tpu.memory_space<vmem>>) dst(%dma_wait3A_660 : memref<32x1024xf32, #tpu.memory_space<hbm>>)
    %dma_start3A_665 = arith.constant 1 : i32
    %dma_start3A_666 = arith.constant 1 : i32
    %dma_start3A_667 = arith.constant 0 : i32
    %dma_start3A_668 = arith.constant 0 : i32
    %dma_start3A_669 = tpu.memref_slice %arg6[%dma_start3A_666, %dma_start3A_667, %dma_start3A_668] : memref<2x32x1024xf32, #tpu.memory_space<vmem>> -> memref<1x32x1024xf32, #tpu.memory_space<vmem>>
    %dma_start3A_670 = tpu.memref_squeeze %dma_start3A_669 : memref<1x32x1024xf32, #tpu.memory_space<vmem>> -> memref<32x1024xf32, #tpu.memory_space<vmem>>
    %dma_start3A_671 = arith.constant 0 : i32
    %dma_start3A_672 = tpu.memref_slice %arg5[%dma_start3A_665, %dma_start3A_671] : memref<2x32xi32, #tpu.memory_space<vmem>> -> memref<1x32xi32, #tpu.memory_space<vmem>>
    %dma_start3A_673 = tpu.memref_squeeze %dma_start3A_672 : memref<1x32xi32, #tpu.memory_space<vmem>> -> memref<32xi32, #tpu.memory_space<vmem>>
    %dma_start3A_674 = arith.constant 0 : i32
    %dma_start3A_675 = arith.constant 0 : i32
    %dma_start3A_676 = tpu.memref_slice %arg2[%dma_start3A_674, %dma_start3A_675] : memref<32768x1024xf32, #tpu.memory_space<hbm>> -> memref<32768x1024xf32, #tpu.memory_space<hbm>>
    tpu.enqueue_indirect_dma source(%dma_start3A_676 : memref<32768x1024xf32, #tpu.memory_space<hbm>>) target(%dma_start3A_670 : memref<32x1024xf32, #tpu.memory_space<vmem>>) offsets(%dma_start3A_673 : memref<32xi32, #tpu.memory_space<vmem>>) semaphore(%arg10 : memref<!tpu.dma_semaphore, #tpu.memory_space<semaphore_mem>>)
    %dma_wait3A_677 = arith.constant 0 : i32
    %dma_wait3A_678 = arith.constant 0 : i32
    %dma_wait3A_679 = arith.constant 0 : i32
    %dma_wait3A_680 = arith.constant 0 : i32
    %dma_wait3A_681 = tpu.memref_slice %arg6[%dma_wait3A_678, %dma_wait3A_679, %dma_wait3A_680] : memref<2x32x1024xf32, #tpu.memory_space<vmem>> -> memref<1x32x1024xf32, #tpu.memory_space<vmem>>
    %dma_wait3A_682 = tpu.memref_squeeze %dma_wait3A_681 : memref<1x32x1024xf32, #tpu.memory_space<vmem>> -> memref<32x1024xf32, #tpu.memory_space<vmem>>
    %dma_wait3A_683 = arith.constant 0 : i32
    %dma_wait3A_684 = tpu.memref_slice %arg5[%dma_wait3A_677, %dma_wait3A_683] : memref<2x32xi32, #tpu.memory_space<vmem>> -> memref<1x32xi32, #tpu.memory_space<vmem>>
    %dma_wait3A_685 = tpu.memref_squeeze %dma_wait3A_684 : memref<1x32xi32, #tpu.memory_space<vmem>> -> memref<32xi32, #tpu.memory_space<vmem>>
    %dma_wait3A_686 = arith.constant 0 : i32
    %dma_wait3A_687 = arith.constant 0 : i32
    %dma_wait3A_688 = tpu.memref_slice %arg2[%dma_wait3A_686, %dma_wait3A_687] : memref<32768x1024xf32, #tpu.memory_space<hbm>> -> memref<32768x1024xf32, #tpu.memory_space<hbm>>
    tpu.wait_indirect_dma semaphore(%arg9 : memref<!tpu.dma_semaphore, #tpu.memory_space<semaphore_mem>>) src(%dma_wait3A_688 : memref<32768x1024xf32, #tpu.memory_space<hbm>>) dst(%dma_wait3A_682 : memref<32x1024xf32, #tpu.memory_space<vmem>>)
    %add3A_689 = arith.constant 192 : i32
    %add3A_690 = arith.addi %mul3A_5, %add3A_689 : i32
    %dma_start3A_691 = arith.constant 0 : i32
    %dma_start3A_692 = arith.constant 0 : i32
    %dma_start3A_693 = arith.constant 0 : i32
    %dma_start3A_694 = tpu.memref_slice %arg6[%dma_start3A_691, %dma_start3A_692, %dma_start3A_693] : memref<2x32x1024xf32, #tpu.memory_space<vmem>> -> memref<1x32x1024xf32, #tpu.memory_space<vmem>>
    %dma_start3A_695 = tpu.memref_squeeze %dma_start3A_694 : memref<1x32x1024xf32, #tpu.memory_space<vmem>> -> memref<32x1024xf32, #tpu.memory_space<vmem>>
    %dma_start3A_696 = arith.constant 0 : i32
    %dma_start3A_697 = tpu.memref_slice %arg3[%div3A_1, %add3A_690, %dma_start3A_696] : memref<4x2049x1024xf32, #tpu.memory_space<hbm>> -> memref<1x32x1024xf32, #tpu.memory_space<hbm>>
    %dma_start3A_698 = tpu.memref_squeeze %dma_start3A_697 : memref<1x32x1024xf32, #tpu.memory_space<hbm>> -> memref<32x1024xf32, #tpu.memory_space<hbm>>
    %dma_start3A_699 = arith.constant 0 : i32
    %dma_start3A_700 = tpu.memref_slice %arg3[%div3A_1, %add3A_690, %dma_start3A_699] : memref<4x2049x1024xf32, #tpu.memory_space<hbm>> -> memref<1x32x1024xf32, #tpu.memory_space<hbm>>
    %dma_start3A_701 = tpu.memref_squeeze %dma_start3A_700 : memref<1x32x1024xf32, #tpu.memory_space<hbm>> -> memref<32x1024xf32, #tpu.memory_space<hbm>>
    %dma_start3A_702 = arith.constant 0 : i32
    %dma_start3A_703 = arith.constant 0 : i32
    %dma_start3A_704 = tpu.memref_slice %arg6[%dma_start3A_691, %dma_start3A_702, %dma_start3A_703] : memref<2x32x1024xf32, #tpu.memory_space<vmem>> -> memref<1x32x1024xf32, #tpu.memory_space<vmem>>
    %dma_start3A_705 = tpu.memref_squeeze %dma_start3A_704 : memref<1x32x1024xf32, #tpu.memory_space<vmem>> -> memref<32x1024xf32, #tpu.memory_space<vmem>>
    tpu.enqueue_dma source(%dma_start3A_705 : memref<32x1024xf32, #tpu.memory_space<vmem>>) target(%dma_start3A_701 : memref<32x1024xf32, #tpu.memory_space<hbm>>) target_semaphore(%arg11 : memref<!tpu.dma_semaphore, #tpu.memory_space<semaphore_mem>>)
    %dma_wait3A_706 = arith.constant 1 : i32
    %dma_wait3A_707 = arith.constant 1 : i32
    %dma_wait3A_708 = arith.constant 0 : i32
    %dma_wait3A_709 = arith.constant 0 : i32
    %dma_wait3A_710 = tpu.memref_slice %arg6[%dma_wait3A_707, %dma_wait3A_708, %dma_wait3A_709] : memref<2x32x1024xf32, #tpu.memory_space<vmem>> -> memref<1x32x1024xf32, #tpu.memory_space<vmem>>
    %dma_wait3A_711 = tpu.memref_squeeze %dma_wait3A_710 : memref<1x32x1024xf32, #tpu.memory_space<vmem>> -> memref<32x1024xf32, #tpu.memory_space<vmem>>
    %dma_wait3A_712 = arith.constant 0 : i32
    %dma_wait3A_713 = tpu.memref_slice %arg5[%dma_wait3A_706, %dma_wait3A_712] : memref<2x32xi32, #tpu.memory_space<vmem>> -> memref<1x32xi32, #tpu.memory_space<vmem>>
    %dma_wait3A_714 = tpu.memref_squeeze %dma_wait3A_713 : memref<1x32xi32, #tpu.memory_space<vmem>> -> memref<32xi32, #tpu.memory_space<vmem>>
    %dma_wait3A_715 = arith.constant 0 : i32
    %dma_wait3A_716 = arith.constant 0 : i32
    %dma_wait3A_717 = tpu.memref_slice %arg2[%dma_wait3A_715, %dma_wait3A_716] : memref<32768x1024xf32, #tpu.memory_space<hbm>> -> memref<32768x1024xf32, #tpu.memory_space<hbm>>
    tpu.wait_indirect_dma semaphore(%arg10 : memref<!tpu.dma_semaphore, #tpu.memory_space<semaphore_mem>>) src(%dma_wait3A_717 : memref<32768x1024xf32, #tpu.memory_space<hbm>>) dst(%dma_wait3A_711 : memref<32x1024xf32, #tpu.memory_space<vmem>>)
    %add3A_718 = arith.constant 224 : i32
    %add3A_719 = arith.addi %mul3A_5, %add3A_718 : i32
    %dma_start3A_720 = arith.constant 1 : i32
    %dma_start3A_721 = arith.constant 0 : i32
    %dma_start3A_722 = arith.constant 0 : i32
    %dma_start3A_723 = tpu.memref_slice %arg6[%dma_start3A_720, %dma_start3A_721, %dma_start3A_722] : memref<2x32x1024xf32, #tpu.memory_space<vmem>> -> memref<1x32x1024xf32, #tpu.memory_space<vmem>>
    %dma_start3A_724 = tpu.memref_squeeze %dma_start3A_723 : memref<1x32x1024xf32, #tpu.memory_space<vmem>> -> memref<32x1024xf32, #tpu.memory_space<vmem>>
    %dma_start3A_725 = arith.constant 0 : i32
    %dma_start3A_726 = tpu.memref_slice %arg3[%div3A_1, %add3A_719, %dma_start3A_725] : memref<4x2049x1024xf32, #tpu.memory_space<hbm>> -> memref<1x32x1024xf32, #tpu.memory_space<hbm>>
    %dma_start3A_727 = tpu.memref_squeeze %dma_start3A_726 : memref<1x32x1024xf32, #tpu.memory_space<hbm>> -> memref<32x1024xf32, #tpu.memory_space<hbm>>
    %dma_start3A_728 = arith.constant 0 : i32
    %dma_start3A_729 = tpu.memref_slice %arg3[%div3A_1, %add3A_719, %dma_start3A_728] : memref<4x2049x1024xf32, #tpu.memory_space<hbm>> -> memref<1x32x1024xf32, #tpu.memory_space<hbm>>
    %dma_start3A_730 = tpu.memref_squeeze %dma_start3A_729 : memref<1x32x1024xf32, #tpu.memory_space<hbm>> -> memref<32x1024xf32, #tpu.memory_space<hbm>>
    %dma_start3A_731 = arith.constant 0 : i32
    %dma_start3A_732 = arith.constant 0 : i32
    %dma_start3A_733 = tpu.memref_slice %arg6[%dma_start3A_720, %dma_start3A_731, %dma_start3A_732] : memref<2x32x1024xf32, #tpu.memory_space<vmem>> -> memref<1x32x1024xf32, #tpu.memory_space<vmem>>
    %dma_start3A_734 = tpu.memref_squeeze %dma_start3A_733 : memref<1x32x1024xf32, #tpu.memory_space<vmem>> -> memref<32x1024xf32, #tpu.memory_space<vmem>>
    tpu.enqueue_dma source(%dma_start3A_734 : memref<32x1024xf32, #tpu.memory_space<vmem>>) target(%dma_start3A_730 : memref<32x1024xf32, #tpu.memory_space<hbm>>) target_semaphore(%arg12 : memref<!tpu.dma_semaphore, #tpu.memory_space<semaphore_mem>>)
    %dma_wait3A_735 = arith.constant 0 : i32
    %dma_wait3A_736 = arith.constant 0 : i32
    %dma_wait3A_737 = arith.constant 0 : i32
    %dma_wait3A_738 = tpu.memref_slice %arg6[%dma_wait3A_735, %dma_wait3A_736, %dma_wait3A_737] : memref<2x32x1024xf32, #tpu.memory_space<vmem>> -> memref<1x32x1024xf32, #tpu.memory_space<vmem>>
    %dma_wait3A_739 = tpu.memref_squeeze %dma_wait3A_738 : memref<1x32x1024xf32, #tpu.memory_space<vmem>> -> memref<32x1024xf32, #tpu.memory_space<vmem>>
    %dma_wait3A_740 = arith.constant 0 : i32
    %dma_wait3A_741 = tpu.memref_slice %arg3[%div3A_1, %add3A_690, %dma_wait3A_740] : memref<4x2049x1024xf32, #tpu.memory_space<hbm>> -> memref<1x32x1024xf32, #tpu.memory_space<hbm>>
    %dma_wait3A_742 = tpu.memref_squeeze %dma_wait3A_741 : memref<1x32x1024xf32, #tpu.memory_space<hbm>> -> memref<32x1024xf32, #tpu.memory_space<hbm>>
    %dma_wait3A_743 = arith.constant 0 : i32
    %dma_wait3A_744 = tpu.memref_slice %arg3[%div3A_1, %add3A_690, %dma_wait3A_743] : memref<4x2049x1024xf32, #tpu.memory_space<hbm>> -> memref<1x32x1024xf32, #tpu.memory_space<hbm>>
    %dma_wait3A_745 = tpu.memref_squeeze %dma_wait3A_744 : memref<1x32x1024xf32, #tpu.memory_space<hbm>> -> memref<32x1024xf32, #tpu.memory_space<hbm>>
    %dma_wait3A_746 = arith.constant 0 : i32
    %dma_wait3A_747 = arith.constant 0 : i32
    %dma_wait3A_748 = tpu.memref_slice %arg6[%dma_wait3A_735, %dma_wait3A_746, %dma_wait3A_747] : memref<2x32x1024xf32, #tpu.memory_space<vmem>> -> memref<1x32x1024xf32, #tpu.memory_space<vmem>>
    %dma_wait3A_749 = tpu.memref_squeeze %dma_wait3A_748 : memref<1x32x1024xf32, #tpu.memory_space<vmem>> -> memref<32x1024xf32, #tpu.memory_space<vmem>>
    tpu.wait_dma2 semaphore(%arg11 : memref<!tpu.dma_semaphore, #tpu.memory_space<semaphore_mem>>) src(%dma_wait3A_749 : memref<32x1024xf32, #tpu.memory_space<vmem>>) dst(%dma_wait3A_745 : memref<32x1024xf32, #tpu.memory_space<hbm>>)
    %dma_wait3A_750 = arith.constant 1 : i32
    %dma_wait3A_751 = arith.constant 0 : i32
    %dma_wait3A_752 = arith.constant 0 : i32
    %dma_wait3A_753 = tpu.memref_slice %arg6[%dma_wait3A_750, %dma_wait3A_751, %dma_wait3A_752] : memref<2x32x1024xf32, #tpu.memory_space<vmem>> -> memref<1x32x1024xf32, #tpu.memory_space<vmem>>
    %dma_wait3A_754 = tpu.memref_squeeze %dma_wait3A_753 : memref<1x32x1024xf32, #tpu.memory_space<vmem>> -> memref<32x1024xf32, #tpu.memory_space<vmem>>
    %dma_wait3A_755 = arith.constant 0 : i32
    %dma_wait3A_756 = tpu.memref_slice %arg3[%div3A_1, %add3A_719, %dma_wait3A_755] : memref<4x2049x1024xf32, #tpu.memory_space<hbm>> -> memref<1x32x1024xf32, #tpu.memory_space<hbm>>
    %dma_wait3A_757 = tpu.memref_squeeze %dma_wait3A_756 : memref<1x32x1024xf32, #tpu.memory_space<hbm>> -> memref<32x1024xf32, #tpu.memory_space<hbm>>
    %dma_wait3A_758 = arith.constant 0 : i32
    %dma_wait3A_759 = tpu.memref_slice %arg3[%div3A_1, %add3A_719, %dma_wait3A_758] : memref<4x2049x1024xf32, #tpu.memory_space<hbm>> -> memref<1x32x1024xf32, #tpu.memory_space<hbm>>
    %dma_wait3A_760 = tpu.memref_squeeze %dma_wait3A_759 : memref<1x32x1024xf32, #tpu.memory_space<hbm>> -> memref<32x1024xf32, #tpu.memory_space<hbm>>
    %dma_wait3A_761 = arith.constant 0 : i32
    %dma_wait3A_762 = arith.constant 0 : i32
    %dma_wait3A_763 = tpu.memref_slice %arg6[%dma_wait3A_750, %dma_wait3A_761, %dma_wait3A_762] : memref<2x32x1024xf32, #tpu.memory_space<vmem>> -> memref<1x32x1024xf32, #tpu.memory_space<vmem>>
    %dma_wait3A_764 = tpu.memref_squeeze %dma_wait3A_763 : memref<1x32x1024xf32, #tpu.memory_space<vmem>> -> memref<32x1024xf32, #tpu.memory_space<vmem>>
    tpu.wait_dma2 semaphore(%arg12 : memref<!tpu.dma_semaphore, #tpu.memory_space<semaphore_mem>>) src(%dma_wait3A_764 : memref<32x1024xf32, #tpu.memory_space<vmem>>) dst(%dma_wait3A_760 : memref<32x1024xf32, #tpu.memory_space<hbm>>)
    %lt3A_765 = arith.constant 4 : i32
    %lt3A_766 = arith.cmpi slt, %add3A, %lt3A_765 : i32
    %convert_element_type3A_767 = arith.extui %lt3A_766 : i1 to i32
    %cond3A_768 = arith.constant 0 : i32
    %cond3A_769 = arith.cmpi ne, %convert_element_type3A_767, %cond3A_768 : i32
    scf.if %cond3A_769 {
      %dma_wait3A_775 = arith.constant 0 : i32
      %dma_wait3A_776 = tpu.memref_slice %arg2[%add3A_9, %dma_wait3A_775] : memref<32768x1024xf32, #tpu.memory_space<hbm>> -> memref<1x1024xf32, #tpu.memory_space<hbm>>
      %dma_wait3A_777 = arith.constant 0 : i32
      %dma_wait3A_778 = tpu.memref_slice %arg2[%add3A_9, %dma_wait3A_777] : memref<32768x1024xf32, #tpu.memory_space<hbm>> -> memref<1x1024xf32, #tpu.memory_space<hbm>>
      tpu.wait_dma2 semaphore(%arg13 : memref<!tpu.dma_semaphore, #tpu.memory_space<semaphore_mem>>) src(%dma_wait3A_778 : memref<1x1024xf32, #tpu.memory_space<hbm>>) dst(%arg7 : memref<1x1024xf32, #tpu.memory_space<vmem>>)
      %dma_start3A_779 = arith.constant 2048 : i32
      %dma_start3A_780 = arith.constant 0 : i32
      %dma_start3A_781 = tpu.memref_slice %arg3[%add3A, %dma_start3A_779, %dma_start3A_780] : memref<4x2049x1024xf32, #tpu.memory_space<hbm>> -> memref<1x1x1024xf32, #tpu.memory_space<hbm>>
      %dma_start3A_782 = tpu.memref_squeeze %dma_start3A_781 : memref<1x1x1024xf32, #tpu.memory_space<hbm>> -> memref<1x1024xf32, #tpu.memory_space<hbm>>
      %dma_start3A_783 = arith.constant 2048 : i32
      %dma_start3A_784 = arith.constant 0 : i32
      %dma_start3A_785 = tpu.memref_slice %arg3[%add3A, %dma_start3A_783, %dma_start3A_784] : memref<4x2049x1024xf32, #tpu.memory_space<hbm>> -> memref<1x1x1024xf32, #tpu.memory_space<hbm>>
      %dma_start3A_786 = tpu.memref_squeeze %dma_start3A_785 : memref<1x1x1024xf32, #tpu.memory_space<hbm>> -> memref<1x1024xf32, #tpu.memory_space<hbm>>
      tpu.enqueue_dma source(%arg7 : memref<1x1024xf32, #tpu.memory_space<vmem>>) target(%dma_start3A_786 : memref<1x1024xf32, #tpu.memory_space<hbm>>) target_semaphore(%arg13 : memref<!tpu.dma_semaphore, #tpu.memory_space<semaphore_mem>>)
      %dma_wait3A_787 = arith.constant 2048 : i32
      %dma_wait3A_788 = arith.constant 0 : i32
      %dma_wait3A_789 = tpu.memref_slice %arg3[%add3A, %dma_wait3A_787, %dma_wait3A_788] : memref<4x2049x1024xf32, #tpu.memory_space<hbm>> -> memref<1x1x1024xf32, #tpu.memory_space<hbm>>
      %dma_wait3A_790 = tpu.memref_squeeze %dma_wait3A_789 : memref<1x1x1024xf32, #tpu.memory_space<hbm>> -> memref<1x1024xf32, #tpu.memory_space<hbm>>
      %dma_wait3A_791 = arith.constant 2048 : i32
      %dma_wait3A_792 = arith.constant 0 : i32
      %dma_wait3A_793 = tpu.memref_slice %arg3[%add3A, %dma_wait3A_791, %dma_wait3A_792] : memref<4x2049x1024xf32, #tpu.memory_space<hbm>> -> memref<1x1x1024xf32, #tpu.memory_space<hbm>>
      %dma_wait3A_794 = tpu.memref_squeeze %dma_wait3A_793 : memref<1x1x1024xf32, #tpu.memory_space<hbm>> -> memref<1x1024xf32, #tpu.memory_space<hbm>>
      tpu.wait_dma2 semaphore(%arg13 : memref<!tpu.dma_semaphore, #tpu.memory_space<semaphore_mem>>) src(%arg7 : memref<1x1024xf32, #tpu.memory_space<vmem>>) dst(%dma_wait3A_794 : memref<1x1024xf32, #tpu.memory_space<hbm>>)
    } else {
    }
    %eq3A_770 = arith.constant 31 : i32
    %eq3A_771 = arith.cmpi eq, %add3A, %eq3A_770 : i32
    %convert_element_type3A_772 = arith.extui %eq3A_771 : i1 to i32
    %cond3A_773 = arith.constant 0 : i32
    %cond3A_774 = arith.cmpi ne, %convert_element_type3A_772, %cond3A_773 : i32
    scf.if %cond3A_774 {
      %dma_wait3A_775 = arith.constant 0 : i32
      %dma_wait3A_776 = tpu.memref_slice %arg8[%dma_wait3A_775] : memref<2064xi32, #tpu.memory_space<vmem>> -> memref<2049xi32, #tpu.memory_space<vmem>>
      %dma_wait3A_777 = arith.constant 0 : i32
      %dma_wait3A_778 = tpu.memref_slice %arg8[%dma_wait3A_777] : memref<2064xi32, #tpu.memory_space<vmem>> -> memref<2049xi32, #tpu.memory_space<vmem>>
      tpu.wait_dma2 semaphore(%arg13 : memref<!tpu.dma_semaphore, #tpu.memory_space<semaphore_mem>>) src(%dma_wait3A_778 : memref<2049xi32, #tpu.memory_space<vmem>>) dst(%arg4 : memref<2049xi32, #tpu.memory_space<hbm>>)
    } else {
    }
    return
  }
}

</mosaic_0001>

<sc_bundles>
// kernel: kernel.3.cloned.1.call-start
scs
__scs_entry_jumppad:
0x0: {  	(pc) =	sbr.rel $0x88, $3  }
0x1: {  	(tag) =	ssettag $0x0;
	lr =	simm.s32 $0x1  }
0x2: {  	[smem:$0x3FA0] =	sst lr;
	_ =	strace $0xD0000000  }
0x3: {  	_ = 	snop  }
0x4: {  	_ = 	snop  }
0x5: {  	_ = 	snop  }
0x6: {  	_ = 	snop  }
0x7: {  	_ = 	snop  }
__scs_overlays_trampoline_lowered:
0x8: {  	[smem:$0x3FAF] =	sst s0  }
0x9: {  	[smem:$0x3FB0] =	sst s1  }
0xa: {  	[smem:$0x3FB1] =	sst s2  }
0xb: {  	[smem:$0x3FB2] =	sst s3  }
0xc: {  	[smem:$0x3FB3] =	sst s4  }
0xd: {  	[smem:$0x3FB4] =	sst s5  }
0xe: {  	[smem:$0x3FB5] =	sst s6  }
0xf: {  	[smem:$0x3FB6] =	sst s7  }
0x10: {  	[smem:$0x3FB7] =	sst s8  }
0x11: {  	[smem:$0x3FB8] =	sst s9;
	s0 =	simm.s32 @!p0 $0x0  }
0x12: {  	s1 =	sld [smem:$0x3F9E];
	s0 =	simm.s32 @p0 $0x1  }
0x13: {  	[smem:$0x3FB9] =	sst s0;
	s0 =	simm.s32 @!p1 $0x0  }
0x14: {  	s2 =	sld [smem:$0x3F9D];
	s0 =	simm.s32 @p1 $0x1  }
0x15: {  	[smem:$0x3FBA] =	sst s0;
	s0 =	simm.s32 @!p2 $0x0  }
0x16: {  	s3 =	sld [smem:$0x3FDB];
	s0 =	simm.s32 @p2 $0x1  }
0x17: {  	s4 =	simm.s32 $0x1BF5;
	[smem:$0x3FBC] =	sst s0  }
0x18: {  	s0 =	sld [smem:$0x3F9F];
	_ =	swait.ge [sflag:s4], $0x0  }
0x19: {  	s7 =	sld [smem:$0x3FA0]  }
0x1a: {  	s8 =	sadd.s32 $0xFFFFE003, lr  }
0x1b: {  	s9 =	sadd.s32 $0xFFFFFEF7, lr;
	s5 =	simm.s32 $0xFFFFFFFF;
	p2 =	slt.u32 s8, $0xFFFFF086  }
0x1c: {  	p1 =	slt.u32 s9, $0xF7A;
	s5 =	simm.s32 @!p2 $0x0  }
0x1d: {  	s5 =	simm.s32 @p1 $0x1;
	p0 =	seq.s32 s7, s2  }
0x1e: {  	s7 =	smul.u32 @!p0 $0xF7A, s2;
	p2 =	seq.s32 @!p0 s5, $0x0  }
0x1f: {  	s9 =	smul.u32 $0xF7A, s1;
	s8 =	simm.s32 @!p0 $0x1BF5;
	p2 =	por !p2, p0  }
0x20: {  	[sflag:s8] =	ssyncset.s32 @!p0 $0xFFFFF086;
	s6 =	sadd.s32 @!p0 s3, s7;
	s7 =	simm.s32 @!p0 $0x108  }
0x21: {  	s3 =	sadd.s32 s3, s9;
	s6 =	sadd.s32 @!p0 $0x88, s6;
	s7 =	simm.s32 @p2 $0x1082  }
0x22: {  	[simem:s7], [sflag:s8] =	dma.local @!p0 [hbm:s6], $0xF7A  }
0x23: {  	s9 =	sor.u32 $0xD0000000, s2;
	s6 =	simm.s32 $0x108;
	_ =	swait.ge @!p0 [sflag:s8], $0x0  }
0x24: {  	s3 =	sadd.s32 $0x88, s3;
	s6 =	simm.s32 @!p1 $0x1082;
	[sflag:s4] =	ssyncset.s32 $0xFFFFF086  }
0x25: {  	[simem:s6], [sflag:s4] =	dma.local [hbm:s3], $0xF7A  }
0x26: {  	[smem:$0x3FA0] =	sst s1;
	(tag) =	ssettag s2;
	_ =	strace s9  }
0x27: {  	s1 =	sld [smem:$0x3FB0]  }
0x28: {  	s2 =	sld [smem:$0x3FB1]  }
0x29: {  	s4 =	sld [smem:$0x3FB3]  }
0x2a: {  	p0 =	seq.s32 s5, $0x0;
	s5 =	sld [smem:$0x3FB4]  }
0x2b: {  	s6 =	sld [smem:$0x3FB5]  }
0x2c: {  	s7 =	sld [smem:$0x3FB6]  }
0x2d: {  	s3 =	simm.s32 $0x108;
	s8 =	sld [smem:$0x3FB7]  }
0x2e: {  	s3 =	simm.s32 @!p0 $0x1082;
	s9 =	sld [smem:$0x3FB8]  }
0x2f: {  	lr =	sadd.s32 s0, s3;
	s0 =	sld [smem:$0x3FAF]  }
0x30: {  	s3 =	sld [smem:$0x3FB2]  }
0x31: {  	[smem:$0x3FBB] =	sst s10  }
0x32: {  	s10 =	sld [smem:$0x3FB9];
	_ =	sdelay $0x3  }
0x33: {  	p0 =	seq.s32 s10, $0x1;
	s10 =	sld [smem:$0x3FBB];
	_ =	sdelay $0x3  }
0x34: {  	[smem:$0x3FBB] =	sst s10  }
0x35: {  	s10 =	sld [smem:$0x3FBA];
	_ =	sdelay $0x3  }
0x36: {  	p1 =	seq.s32 s10, $0x1;
	s10 =	sld [smem:$0x3FBB];
	_ =	sdelay $0x3  }
0x37: {  	[smem:$0x3FBB] =	sst s10  }
0x38: {  	s10 =	sld [smem:$0x3FBC]  }
0x39: {  	_ = 	snop;
	(pc) =	sbr.ind lr, $3  }
0x3a: {  	_ = 	snop  }
0x3b: {  	_ = 	snop  }
0x3c: {  	p2 =	seq.s32 s10, $0x1;
	s10 =	sld [smem:$0x3FBB]  }
0x3d: {  	_ =	shalt  }
0x3e: {  	_ =	shalt  }
0x3f: {  	_ =	shalt  }
0x40: {  	_ =	shalt  }
0x41: {  	_ =	shalt  }
0x42: {  	_ =	shalt  }
0x43: {  	_ =	shalt  }
0x44: {  	_ =	shalt  }
0x45: {  	_ =	shalt  }
0x46: {  	_ =	shalt  }
0x47: {  	_ =	shalt  }
0x48: {  	_ =	shalt  }
0x49: {  	_ =	shalt  }
0x4a: {  	_ =	shalt  }
0x4b: {  	_ =	shalt  }
0x4c: {  	_ =	shalt  }
0x4d: {  	_ =	shalt  }
0x4e: {  	_ =	shalt  }
0x4f: {  	_ =	shalt  }
0x50: {  	_ =	shalt  }
0x51: {  	_ =	shalt  }
0x52: {  	_ =	shalt  }
0x53: {  	_ =	shalt  }
0x54: {  	_ =	shalt  }
0x55: {  	_ =	shalt  }
0x56: {  	_ =	shalt  }
0x57: {  	_ =	shalt  }
0x58: {  	_ =	shalt  }
0x59: {  	_ =	shalt  }
0x5a: {  	_ =	shalt  }
0x5b: {  	_ =	shalt  }
0x5c: {  	_ =	shalt  }
0x5d: {  	_ =	shalt  }
0x5e: {  	_ =	shalt  }
0x5f: {  	_ =	shalt  }
0x60: {  	_ =	shalt  }
0x61: {  	_ =	shalt  }
0x62: {  	_ =	shalt  }
0x63: {  	_ =	shalt  }
0x64: {  	_ =	shalt  }
0x65: {  	_ =	shalt  }
0x66: {  	_ =	shalt  }
0x67: {  	_ =	shalt  }
0x68: {  	_ =	shalt  }
0x69: {  	_ =	shalt  }
0x6a: {  	_ =	shalt  }
0x6b: {  	_ =	shalt  }
0x6c: {  	_ =	shalt  }
0x6d: {  	_ =	shalt  }
0x6e: {  	_ =	shalt  }
0x6f: {  	_ =	shalt  }
0x70: {  	_ =	shalt  }
0x71: {  	_ =	shalt  }
0x72: {  	_ =	shalt  }
0x73: {  	_ =	shalt  }
0x74: {  	_ =	shalt  }
0x75: {  	_ =	shalt  }
0x76: {  	_ =	shalt  }
0x77: {  	_ =	shalt  }
0x78: {  	_ =	shalt  }
0x79: {  	_ =	shalt  }
0x7a: {  	_ =	shalt  }
0x7b: {  	_ =	shalt  }
0x7c: {  	_ =	shalt  }
0x7d: {  	_ =	shalt  }
0x7e: {  	_ =	shalt  }
0x7f: {  	_ =	shalt  }
0x80: {  	_ =	shalt  }
0x81: {  	_ =	shalt  }
0x82: {  	_ =	shalt  }
0x83: {  	_ =	shalt  }
0x84: {  	_ =	shalt  }
0x85: {  	_ =	shalt  }
0x86: {  	_ =	shalt  }
0x87: {  	_ =	shalt  }
.Lfunc_end0:
.L_simem_size_0:
called_computation_lowered:
.L_overlay_start_0:
0x88: {  	s2 =	sld [smem:$0x3FD9]  }
0x89: {  	s3 =	sld [smem:$0x3FFE];
	_ =	sdelay $0x1  }
0x8a: {  	s1 =	srdreg.scid  }
0x8b: {  	s0 =	sand.u32 $0x1, s1  }
0x8c: {  	s14 =	sshll.u32 s0, $0xA;
	s2 =	sadd.s32 s3, s2  }
0x8d: {  	s2 =	sadd.s32 s2, s14  }
0x8e: {  	[smem:$0x3FC7] =	sst s2  }
0x8f: {  	_ = 	snop  }
0x90: {  	s2 =	sld [smem:$0x3FD0];
	_ =	sdelay $0x2  }
0x91: {  	s4 =	simm.s32 $0xA;
	s5 =	simm.s32 $0x10;
	s15 =	sld [smem:$0x3FC9]  }
0x92: {  	[smem:s5], [sflag:s4] =	dma.local [hbm:s2], $0x1  }
0x93: {  	_ =	swait.eq [sflag:s4], $0x1  }
0x94: {  	[sflag:s4] =	ssyncset.done $0x0  }
0x95: {  	[sflag:s4] =	ssyncadd.s32 $0xFFFFFFFF  }
0x96: {  	s16 =	sld [smem:$0x11];
	(tm) =	ssettm $0x1  }
0x97: {  	s17 =	sld [smem:$0x3FFB];
	_ =	sdelay $0x3  }
0x98: {  	_ =	strace s17  }
0x99: {  	s4 =	sld [smem:$0x3FFC];
	_ =	sdelay $0x3  }
0x9a: {  	_ =	strace s4  }
0x9b: {  	s4 =	sld [smem:$0x3FFD];
	_ =	sdelay $0x3  }
0x9c: {  	_ =	strace s4  }
0x9d: {  	_ =	strace $0x8FFFFFFF  }
0x9e: {  	s18 =	sld [smem:$0x3FDB];
	_ =	sdelay $0x1  }
0x9f: {  	s19 =	simm.s32 $_scs_section_size  }
0xa0: {  	s6 =	simm.s32 $_size__tile_overlayer_lowered;
	s7 =	simm.s32 $_tile_overlayer_lowered  }
0xa1: {  	s22 =	simm.s32 $0x1BFF;
	s21 =	sshll.u32 s7, $0x1;
	s4 =	sadd.s32 s19, s18  }
0xa2: {  	s8 =	simm.s32 $0x0;
	s20 =	sshll.u32 s6, $0x1;
	s6 =	sadd.s32 s21, s4  }
0xa3: {  	[timem:s8], [sflag:s22] =	dma.local [hbm:s6], s20  }
0xa4: {  	_ =	swait.ge [sflag:s22], s20  }
0xa5: {  	s5 =	ssub.s32 $0x0, s20;
	[sflag:s22] =	ssyncset.done $0x0  }
0xa6: {  	[sflag:s22] =	ssyncadd.s32 s5;
	_ =	sdelay $0x1  }
0xa7: {  	s23 =	simm.s32 $0x1B8B  }
0xa8: {  	_ =	swait.ge [sflag:s23], $0x1  }
0xa9: {  	[sflag:s23] =	ssyncset.done $0x0  }
0xaa: {  	s25 =	simm.s32 $0x1B8E;
	s24 =	sld [smem:$0x3FFE];
	[sflag:s23] =	ssyncadd.s32 $0xFFFFFFFF  }
0xab: {  	s26 =	simm.s32 $execute0_lowered;
	[smem:$0x3FD2] =	sst s25  }
0xac: {  	s6 =	sshll.u32 s26, $0x1;
	_ =	strace $0x80000046;
	[dreg:$0x1] =	wrdreg $0xFFFFFFFF  }
0xad: {  	s28 =	simm.s32 $_size_execute0_lowered;
	s4 =	sadd.s32 s4, s6;
	[dreg:$0x0] =	wrdreg $0x0  }
0xae: {  	s6 =	sshll.u32 s28, $0x1;
	[dreg:$0x2] =	wrdreg s4  }
0xaf: {  	[dreg:$0x3] =	wrdreg s6  }
0xb0: {  	[dreg:$0x4] =	wrdreg $0xC0  }
0xb1: {  	_ =	task [dreg:s8], $0x5FFFF  }
0xb2: {  	[dreg:$0x1] =	wrdreg $0xFFFFFFFF  }
0xb3: {  	[dreg:$0x0] =	wrdreg $0x60  }
0xb4: {  	[dreg:$0x2] =	wrdreg s15  }
0xb5: {  	[dreg:$0x3] =	wrdreg s24  }
0xb6: {  	[dreg:$0x4] =	wrdreg s16  }
0xb7: {  	[dreg:$0x5] =	wrdreg $0x9  }
0xb8: {  	_ =	task.clear_ibuf [dreg:s8], $0x6FFFF;
	_ =	strace $0x90000046  }
0xb9: {  	s29 =	simm.s32 $0x9;
	_ =	strace $0x80000048  }
0xba: {  	_ =	swait.ge [sflag:s29], $0x1  }
0xbb: {  	[sflag:s29] =	ssyncadd.s32 $0xFFFFFFFF  }
0xbc: {  	_ =	strace $0x90000048  }
0xbd: {  	_ =	sfence  }
0xbe: {  	s30 =	sld [smem:$0x0];
	_ =	sdelay $0x2  }
0xbf: {  	s31 =	sshll.u32 s1, $0xD;
	s1 =	sshrl.u32 s1, $0x2  }
0xc0: {  	s3 =	sand.u32 $0x4000, s31;
	s1 =	sadd.s32 s1, s30  }
0xc1: {  	s0 =	sor.u32 s3, s0;
	s1 =	sshll.u32 s1, $0x11  }
0xc2: {  	s0 =	sor.u32 s1, s0  }
0xc3: {  	s0 =	sadd.s32 $0x8F2B, s0  }
0xc4: {  	[sflag:s0] =	ssyncadd.remote.s32 $0x1  }
0xc5: {  	_ =	sfence.sel $0xFFFF  }
0xc6: {  	[dreg:$0x0] =	wrdreg $0xFFFFFFFF;
	(pc) =	sbr.abs _section_cstart, $3  }
0xc7: {  	[dreg:$0x1] =	wrdreg $0xFFFFFFFF  }
0xc8: {  	_ =	task.clear_ibuf [dreg:s8], $0x2FFFF;
	_ =	strace $0x9FFFFFFF  }
0xc9: {  	(tm) =	ssettm $0x7FFFFFFF  }
tec
execute0_lowered:
.L_overlay_start_1:
0x0: {  	(tag) =	ssettag $0x1  }
0x1: {  	s0 =	srdreg.scid;
	s18 =	stileid.u32  }
0x2: {  	s5 =	sand.u32 $0x1, s0;
	s16 =	sshll.u32 s18, $0x1  }
0x3: {  	s6 =	sshrl.u32 s18, $0x2;
	s0 =	sor.u32 s5, s16  }
0x4: {  	s1 =	sshll.u32 s6, $0xB;
	s2 =	sshll.u32 s0, $0x8  }
0x5: {  	s7 =	rddreg [dreg:$0x1];
	s3 =	ssub.s32 s2, s1  }
0x6: {  	v19 =	vlaneseq.u32;
	vm0 =	vmmov $0xffff;
	s9 =	ssub.s32 $0x2, s5;
	s5 =	sadd.s32 $0x800, s7;
	v1 =	vmov s3;
	s1 =	sor.u32 $0x10, s3  }
0x7: {  	v0 =	vmul.u32 $0x4, v19;
	s11 =	sor.u32 $0x20, s3;
	s17 =	sor.u32 $0x30, s3;
	s4 =	sor.u32 $0x50, s3;
	v1 =	vshll.u32 v1, $0x2;
	v2 =	vmov s1  }
0x8: {  	s10 =	smul.u32 $0x202000, s6;
	s8 =	sor.u32 $0x70, s3;
	s21 =	sor.u32 $0x90, s3;
	v4 =	vmov s11;
	v6 =	vmov s17;
	v8 =	vmov s4  }
0x9: {  	s20 =	sshll.u32 s0, $0x14;
	s2 =	sshll.u32 s6, $0xD;
	v10 =	vmov s8;
	v12 =	vmov s21;
	s17 =	sor.u32 $0xB0, s3;
	v3 =	vor.u32 v0, v1  }
0xa: {  	s13 =	sor.u32 $0x40, s3;
	s12 =	sor.u32 $0x60, s3;
	s14 =	sor.u32 $0x80, s3;
	v2 =	vshll.u32 v2, $0x2;
	v4 =	vshll.u32 v4, $0x2;
	v14 =	vmov s17  }
0xb: {  	s15 =	sshll.u32 s3, $0xA;
	s16 =	sor.u32 $0xA0, s3;
	s26 =	sor.u32 $0xC0, s3;
	v1 =	vadd.s32 s2, v3;
	v2 =	vor.u32 v0, v2;
	v3 =	vand.u32 $0x4, v3  }
0xc: {  	s1 =	rddreg [dreg:$0x0];
	s4 =	simm.s32 $0x0;
	s15 =	sadd.s32 s10, s15;
	v7 =	vor.u32 v0, v4;
	v4 =	vshll.u32 v6, $0x2;
	v6 =	vmov s13  }
0xd: {  	[smem:$0x7FF] =	sst s4;
	s7 =	sadd.s32 s20, s1;
	s15 =	sshrl.u32 s15, $0x3;
	v2 =	vadd.s32 s2, v2;
	v5 =	vshll.u32 v1, $0x3;
	v4 =	vor.u32 v0, v4  }
0xe: {  	s20 =	sor.u32 $0xE0, s3;
	_ =	strace $0x80000047;
	s15 =	sadd.s32 s5, s15;
	v6 =	vshll.u32 v6, $0x2;
	v5 =	vand.u32 $0xFFFFFFC0, v5;
	v4 =	vadd.s32 s2, v4  }
0xf: {  	[dreg:$0x5] =	wrdreg s15;
	s15 =	sor.u32 $0xD0, s3;
	s3 =	sor.u32 $0xF0, s3;
	v9 =	vor.u32 v0, v6;
	v6 =	vshll.u32 v8, $0x2;
	v8 =	vmov s12  }
0x10: {  	v16 =	vmov s15;
	v18 =	vmov s3;
	v21 =	vor.u32 v3, v5  }
0x11: {  	v3 =	vadd.s32 s2, v7;
	v5 =	vand.u32 $0x4, v7;
	v6 =	vor.u32 v0, v6  }
0x12: {  	v8 =	vshll.u32 v8, $0x2;
	v7 =	vshll.u32 v3, $0x3;
	v6 =	vadd.s32 s2, v6  }
0x13: {  	v11 =	vor.u32 v0, v8;
	v8 =	vshll.u32 v10, $0x2;
	v10 =	vmov s14  }
0x14: {  	v7 =	vand.u32 $0xFFFFFFC0, v7;
	v8 =	vor.u32 v0, v8;
	v10 =	vshll.u32 v10, $0x2  }
0x15: {  	v22 =	vor.u32 v5, v7;
	v5 =	vadd.s32 s2, v9;
	v7 =	vand.u32 $0x4, v9  }
0x16: {  	v8 =	vadd.s32 s2, v8;
	v13 =	vor.u32 v0, v10;
	v10 =	vshll.u32 v12, $0x2  }
0x17: {  	v12 =	vmov s16;
	v9 =	vshll.u32 v5, $0x3;
	v10 =	vor.u32 v0, v10  }
0x18: {  	v12 =	vshll.u32 v12, $0x2;
	v9 =	vand.u32 $0xFFFFFFC0, v9;
	v10 =	vadd.s32 s2, v10  }
0x19: {  	v15 =	vor.u32 v0, v12;
	v23 =	vor.u32 v7, v9;
	v7 =	vadd.s32 s2, v11  }
0x1a: {  	v12 =	vshll.u32 v14, $0x2;
	v9 =	vand.u32 $0x4, v11;
	v11 =	vshll.u32 v7, $0x3  }
0x1b: {  	s28 =	simm.s32 $0x1;
	s29 =	simm.s32 $0x3;
	v14 =	vmov s26;
	v12 =	vor.u32 v0, v12;
	v11 =	vand.u32 $0xFFFFFFC0, v11  }
0x1c: {  	s30 =	simm.s32 $0x2;
	s31 =	simm.s32 $0x4;
	p0 =	sgt.u32 s18, $0x1;
	v14 =	vshll.u32 v14, $0x2;
	v26 =	vor.u32 v9, v11;
	v9 =	vadd.s32 s2, v13  }
0x1d: {  	s18 =	simm.s32 $0x5100;
	s19 =	sshrl.u32 s9, $0x1;
	p1 =	sne.s32 s0, $0x1F;
	v12 =	vadd.s32 s2, v12;
	v11 =	vand.u32 $0x4, v13;
	v13 =	vshll.u32 v9, $0x3  }
0x1e: {  	s9 =	ssub.s32 s9, s19;
	s11 =	sshll.u32 s11, $0xA;
	s24 =	sshll.u32 s12, $0xA;
	v17 =	vor.u32 v0, v14;
	v14 =	vshll.u32 v16, $0x2;
	v13 =	vand.u32 $0xFFFFFFC0, v13  }
0x1f: {  	s25 =	sshll.u32 s14, $0xA;
	s21 =	smul.u32 $0x202000, s0;
	s6 =	sadd.s32 $0x100, s1;
	v16 =	vmov s20;
	v27 =	vor.u32 v11, v13;
	v11 =	vadd.s32 s2, v15  }
0x20: {  	s8 =	sadd.s32 $0x300, s1;
	s11 =	sadd.s32 s10, s11;
	s22 =	sadd.s32 $0xFFC70, s7;
	v14 =	vor.u32 v0, v14;
	v13 =	vand.u32 $0x4, v15;
	v15 =	vshll.u32 v11, $0x3  }
0x21: {  	s7 =	sadd.s32 $0x200, s1;
	s13 =	sshll.u32 s13, $0xA;
	s11 =	sshrl.u32 s11, $0x3;
	v16 =	vshll.u32 v16, $0x2;
	v14 =	vadd.s32 s2, v14;
	v15 =	vand.u32 $0xFFFFFFC0, v15  }
0x22: {  	[dreg:$0x4] =	wrdreg s22;
	s13 =	sadd.s32 s10, s13;
	s11 =	sadd.s32 s5, s11;
	v20 =	vor.u32 v0, v16;
	v28 =	vor.u32 v13, v15;
	v13 =	vadd.s32 s2, v17  }
0x23: {  	s13 =	sshrl.u32 s13, $0x3;
	[dreg:$0x6] =	wrdreg s11;
	s11 =	sadd.s32 s10, s24;
	v16 =	vshll.u32 v18, $0x2;
	v15 =	vand.u32 $0x4, v17;
	v17 =	vshll.u32 v13, $0x3  }
0x24: {  	s12 =	sadd.s32 s10, s25;
	s15 =	simm.s32 $0x3900;
	s23 =	sadd.s32 s5, s13;
	v18 =	vshrl.u32 v19, $0x3;
	v16 =	vor.u32 v0, v16;
	v17 =	vand.u32 $0xFFFFFFC0, v17  }
0x25: {  	s11 =	sshrl.u32 s11, $0x3;
	s12 =	sshrl.u32 s12, $0x3;
	s13 =	sshll.u32 s26, $0xA;
	v18 =	vmul.u32 $0x8, v18;
	v29 =	vor.u32 v15, v17;
	v17 =	vand.u32 $0x7, v19  }
0x26: {  	[dreg:$0x7] =	wrdreg s23;
	s11 =	sadd.s32 s5, s11;
	s17 =	sadd.s32 s5, s12;
	v16 =	vadd.s32 s2, v16;
	v19 =	vor.u32 $0x8, v19;
	v25 =	vperm.xlane v21, v17  }
0x27: {  	s12 =	sshll.u32 s20, $0xA;
	s22 =	sadd.s32 s10, s13;
	[dreg:$0x8] =	wrdreg s11;
	v15 =	vadd.s32 s2, v20;
	v21 =	vperm.xlane v21, v19;
	v31 =	vperm.xlane v23, v17  }
0x28: {  	s23 =	sshrl.u32 s21, $0x3;
	s21 =	simm.s32 $0x5900;
	[dreg:$0x9] =	wrdreg s17;
	v20 =	vand.u32 $0x4, v20;
	v32 =	vperm.xlane v23, v19;
	v33 =	vperm.xlane v26, v17  }
0x29: {  	s3 =	sshrl.u32 s22, $0x3;
	s25 =	sadd.s32 s5, s23;
	s17 =	simm.s32 $0x4900;
	v24 =	vshll.u32 v15, $0x3;
	v61 =	vperm.xlane v27, v17;
	v62 =	vperm.xlane v27, v19  }
0x2a: {  	s22 =	simm.s32 $0x6100;
	s23 =	simm.s32 $0x6900;
	s16 =	sshll.u32 s16, $0xA;
	v34 =	vperm.xlane v28, v19;
	v63 =	vperm.xlane v29, v17;
	v24 =	vand.u32 $0xFFFFFFC0, v24  }
0x2b: {  	s3 =	sadd.s32 s5, s3;
	s19 =	sadd.s32 s10, s16;
	s10 =	sadd.s32 s10, s12;
	v35 =	vperm.xlane v29, v19;
	v30 =	vor.u32 v20, v24;
	v20 =	vadd.s32 v18, v25  }
0x2c: {  	[dreg:$0xb] =	wrdreg s3;
	s12 =	simm.s32 $0x3100;
	s16 =	simm.s32 $0x4100;
	v24 =	vperm.xlane v22, v17;
	v25 =	vperm.xlane v22, v19;
	v21 =	vadd.s32 v18, v21  }
0x2d: {  	s11 =	sshrl.u32 s19, $0x3;
	s10 =	sshrl.u32 s10, $0x3;
	s26 =	smax.u32 s9, $0x1;
	v29 =	vadd.s32 v18, v62;
	v36 =	vperm.xlane v30, v17;
	v37 =	vperm.xlane v30, v19  }
.Ltmp0:
0x2e: {  	s19 =	sadd.s32 $0x40000, s25;
	[dreg:$0xd] =	wrdreg s26;
	v22 =	vadd.s32 v18, v24;
	v24 =	vadd.s32 v18, v31;
	v31 =	vperm.xlane v26, v19;
	(pc) =	sbr.rel .LBB2_1-.Ltmp0, $4  }
0x2f: {  	s25 =	simm.s32 $0x7900;
	s11 =	sadd.s32 s5, s11;
	[dreg:$0xe] =	wrdreg s19;
	v23 =	vadd.s32 v18, v25;
	v25 =	vadd.s32 v18, v32;
	v26 =	vadd.s32 v18, v33  }
0x30: {  	s24 =	sadd.s32 s5, s10;
	s5 =	simm.s32 $0x900;
	[dreg:$0xa] =	wrdreg s11;
	v32 =	vadd.s32 v18, v63;
	v27 =	vadd.s32 v18, v31;
	v31 =	vperm.xlane v28, v17  }
0x31: {  	s26 =	simm.s32 $0x8900;
	[dreg:$0xc] =	wrdreg s24;
	s11 =	simm.s32 $0x2900;
	v33 =	vadd.s32 v18, v35;
	v35 =	vadd.s32 v18, v37;
	v28 =	vadd.s32 v18, v61  }
0x32: {  	s24 =	simm.s32 $0x7100;
	s20 =	simm.s32 $0x9100;
	s2 =	simm.s32 $0x0;
	v30 =	vadd.s32 v18, v31;
	v31 =	vadd.s32 v18, v34;
	v34 =	vadd.s32 v18, v36  }
.LBB2_4:
0x33: {  	s0 =	rddreg [dreg:$0x2];
	s3 =	simm.s32 $0x10500;
	s5 =	simm.s32 $0x900  }
0x34: {  	[hbm4b:s0+s4] =	stream.linear.scatter [tilespmem:s3], [sflag:$0x5], $0x801, $0x38;
	[tilespmem:$0x10D80] =	vst v63  }
.LBB2_5:
0x35: {  	_ =	sdelay $0x1  }
0x36: {  	[tilespmem:$0x0] =	vst v1  }
0x37: {  	[tilespmem:$0x10] =	vst v2;
	s9 =	simm.s32 $0x100  }
0x38: {  	[tilespmem:s9], [sflag:$0x1] =	stream.indirect_vreg.gather [hbm4b:s1+s4], $0x80, v20, vm0, $0xb8;
	[tilespmem:$0x10D80] =	vst v63  }
0x39: {  	_ = 	snop  }
0x3a: {  	[tilespmem:s5], [sflag:$0x1] =	stream.indirect_vreg.gather [hbm4b:s6+s4], $0x80, v20, vm0, $0xb8;
	[tilespmem:$0x10D80] =	vst v63  }
0x3b: {  	s14 =	simm.s32 $0x1100  }
0x3c: {  	[tilespmem:s14], [sflag:$0x1] =	stream.indirect_vreg.gather [hbm4b:s7+s4], $0x80, v20, vm0, $0xb8;
	[tilespmem:$0x10D80] =	vst v63  }
0x3d: {  	s19 =	simm.s32 $0x1900  }
0x3e: {  	[tilespmem:s19], [sflag:$0x1] =	stream.indirect_vreg.gather [hbm4b:s8+s4], $0x80, v20, vm0, $0xb8;
	[tilespmem:$0x10D80] =	vst v63  }
0x3f: {  	s10 =	simm.s32 $0x2100  }
0x40: {  	[tilespmem:s10], [sflag:$0x1] =	stream.indirect_vreg.gather [hbm4b:s1+s4], $0x80, v21, vm0, $0xb8;
	[tilespmem:$0x10D80] =	vst v63  }
0x41: {  	_ = 	snop  }
0x42: {  	[tilespmem:s11], [sflag:$0x1] =	stream.indirect_vreg.gather [hbm4b:s6+s4], $0x80, v21, vm0, $0xb8;
	[tilespmem:$0x10D80] =	vst v63  }
0x43: {  	_ = 	snop  }
0x44: {  	[tilespmem:s12], [sflag:$0x1] =	stream.indirect_vreg.gather [hbm4b:s7+s4], $0x80, v21, vm0, $0xb8;
	[tilespmem:$0x10D80] =	vst v63  }
0x45: {  	_ = 	snop  }
0x46: {  	[tilespmem:s15], [sflag:$0x1] =	stream.indirect_vreg.gather [hbm4b:s8+s4], $0x80, v21, vm0, $0xb8;
	[tilespmem:$0x10D80] =	vst v63  }
0x47: {  	v36 =	vld [tilespmem:$0x10];
	_ =	sdelay $0x4  }
0x48: {  	v37 =	vshll.u32 v36, $0x3  }
0x49: {  	v36 =	vand.u32 $0x7, v36;
	v37 =	vand.u32 $0xFFFFFFC0, v37  }
0x4a: {  	v36 =	vor.u32 v36, v37  }
0x4b: {  	v37 =	vperm.xlane v36, v17;
	_ =	sdelay $0x1  }
0x4c: {  	v37 =	vadd.s32 v18, v37;
	_ =	sdelay $0x4  }
0x4d: {  	[tilespmem:s16], [sflag:$0x1] =	stream.indirect_vreg.gather [hbm4b:s1+s4], $0x80, v37, vm0, $0xb8;
	[tilespmem:$0x10D80] =	vst v63  }
0x4e: {  	v36 =	vperm.xlane v36, v19  }
0x4f: {  	[tilespmem:s17], [sflag:$0x1] =	stream.indirect_vreg.gather [hbm4b:s6+s4], $0x80, v37, vm0, $0xb8;
	[tilespmem:$0x10D80] =	vst v63  }
0x50: {  	v36 =	vadd.s32 v18, v36  }
0x51: {  	[tilespmem:s18], [sflag:$0x1] =	stream.indirect_vreg.gather [hbm4b:s7+s4], $0x80, v37, vm0, $0xb8;
	[tilespmem:$0x10D80] =	vst v63  }
0x52: {  	_ = 	snop  }
0x53: {  	[tilespmem:s21], [sflag:$0x1] =	stream.indirect_vreg.gather [hbm4b:s8+s4], $0x80, v37, vm0, $0xb8;
	[tilespmem:$0x10D80] =	vst v63  }
0x54: {  	_ = 	snop  }
0x55: {  	[tilespmem:s22], [sflag:$0x1] =	stream.indirect_vreg.gather [hbm4b:s1+s4], $0x80, v36, vm0, $0xb8;
	[tilespmem:$0x10D80] =	vst v63  }
0x56: {  	_ = 	snop  }
0x57: {  	[tilespmem:s23], [sflag:$0x1] =	stream.indirect_vreg.gather [hbm4b:s6+s4], $0x80, v36, vm0, $0xb8;
	[tilespmem:$0x10D80] =	vst v63  }
0x58: {  	_ = 	snop  }
0x59: {  	[tilespmem:s24], [sflag:$0x1] =	stream.indirect_vreg.gather [hbm4b:s7+s4], $0x80, v36, vm0, $0xb8;
	[tilespmem:$0x10D80] =	vst v63  }
0x5a: {  	_ = 	snop  }
0x5b: {  	[tilespmem:s25], [sflag:$0x1] =	stream.indirect_vreg.gather [hbm4b:s8+s4], $0x80, v36, vm0, $0xb8;
	[tilespmem:$0x10D80] =	vst v63  }
0x5c: {  	[tilespmem:$0x80] =	vst v3  }
0x5d: {  	s3 =	simm.s32 $0x8100;
	[tilespmem:$0x90] =	vst v4  }
0x5e: {  	[tilespmem:s3], [sflag:$0x2] =	stream.indirect_vreg.gather [hbm4b:s1+s4], $0x80, v22, vm0, $0xb8;
	[tilespmem:$0x10D80] =	vst v63  }
0x5f: {  	_ = 	snop  }
0x60: {  	[tilespmem:s26], [sflag:$0x2] =	stream.indirect_vreg.gather [hbm4b:s6+s4], $0x80, v22, vm0, $0xb8;
	[tilespmem:$0x10D80] =	vst v63  }
0x61: {  	_ = 	snop  }
0x62: {  	[tilespmem:s20], [sflag:$0x2] =	stream.indirect_vreg.gather [hbm4b:s7+s4], $0x80, v22, vm0, $0xb8;
	[tilespmem:$0x10D80] =	vst v63  }
0x63: {  	s0 =	simm.s32 $0x9900  }
0x64: {  	[tilespmem:s0], [sflag:$0x2] =	stream.indirect_vreg.gather [hbm4b:s8+s4], $0x80, v22, vm0, $0xb8;
	[tilespmem:$0x10D80] =	vst v63  }
0x65: {  	s13 =	simm.s32 $0xA100  }
0x66: {  	[tilespmem:s13], [sflag:$0x2] =	stream.indirect_vreg.gather [hbm4b:s1+s4], $0x80, v23, vm0, $0xb8;
	[tilespmem:$0x10D80] =	vst v63  }
0x67: {  	s13 =	simm.s32 $0xA900  }
0x68: {  	[tilespmem:s13], [sflag:$0x2] =	stream.indirect_vreg.gather [hbm4b:s6+s4], $0x80, v23, vm0, $0xb8;
	[tilespmem:$0x10D80] =	vst v63  }
0x69: {  	s13 =	simm.s32 $0xB100  }
0x6a: {  	[tilespmem:s13], [sflag:$0x2] =	stream.indirect_vreg.gather [hbm4b:s7+s4], $0x80, v23, vm0, $0xb8;
	[tilespmem:$0x10D80] =	vst v63  }
0x6b: {  	s13 =	simm.s32 $0xB900  }
0x6c: {  	[tilespmem:s13], [sflag:$0x2] =	stream.indirect_vreg.gather [hbm4b:s8+s4], $0x80, v23, vm0, $0xb8;
	[tilespmem:$0x10D80] =	vst v63  }
0x6d: {  	v36 =	vld [tilespmem:$0x90];
	_ =	sdelay $0x4  }
0x6e: {  	v51 =	vshll.u32 v36, $0x3  }
0x6f: {  	v36 =	vand.u32 $0x7, v36;
	v37 =	vand.u32 $0xFFFFFFC0, v51  }
0x70: {  	v36 =	vor.u32 v36, v37  }
0x71: {  	v37 =	vperm.xlane v36, v17;
	_ =	sdelay $0x1  }
0x72: {  	v37 =	vadd.s32 v18, v37;
	_ =	sdelay $0x3  }
0x73: {  	s0 =	simm.s32 $0xC100  }
0x74: {  	[tilespmem:s0], [sflag:$0x2] =	stream.indirect_vreg.gather [hbm4b:s1+s4], $0x80, v37, vm0, $0xb8;
	[tilespmem:$0x10D80] =	vst v63  }
0x75: {  	v36 =	vperm.xlane v36, v19;
	s0 =	simm.s32 $0xC900  }
0x76: {  	[tilespmem:s0], [sflag:$0x2] =	stream.indirect_vreg.gather [hbm4b:s6+s4], $0x80, v37, vm0, $0xb8;
	[tilespmem:$0x10D80] =	vst v63  }
0x77: {  	v36 =	vadd.s32 v18, v36;
	s0 =	simm.s32 $0xD100  }
0x78: {  	[tilespmem:s0], [sflag:$0x2] =	stream.indirect_vreg.gather [hbm4b:s7+s4], $0x80, v37, vm0, $0xb8;
	[tilespmem:$0x10D80] =	vst v63  }
0x79: {  	s0 =	simm.s32 $0xD900  }
0x7a: {  	[tilespmem:s0], [sflag:$0x2] =	stream.indirect_vreg.gather [hbm4b:s8+s4], $0x80, v37, vm0, $0xb8;
	[tilespmem:$0x10D80] =	vst v63  }
0x7b: {  	s0 =	simm.s32 $0xE100  }
0x7c: {  	[tilespmem:s0], [sflag:$0x2] =	stream.indirect_vreg.gather [hbm4b:s1+s4], $0x80, v36, vm0, $0xb8;
	[tilespmem:$0x10D80] =	vst v63  }
0x7d: {  	s0 =	simm.s32 $0xE900  }
0x7e: {  	[tilespmem:s0], [sflag:$0x2] =	stream.indirect_vreg.gather [hbm4b:s6+s4], $0x80, v36, vm0, $0xb8;
	[tilespmem:$0x10D80] =	vst v63  }
0x7f: {  	s0 =	simm.s32 $0xF100  }
0x80: {  	[tilespmem:s0], [sflag:$0x2] =	stream.indirect_vreg.gather [hbm4b:s7+s4], $0x80, v36, vm0, $0xb8;
	[tilespmem:$0x10D80] =	vst v63  }
0x81: {  	s0 =	simm.s32 $0xF900  }
0x82: {  	[tilespmem:s0], [sflag:$0x2] =	stream.indirect_vreg.gather [hbm4b:s8+s4], $0x80, v36, vm0, $0xb8;
	[tilespmem:$0x10D80] =	vst v63  }
0x83: {  	_ =	swait.ge [sflag:s28], $0x8000  }
0x84: {  	[sflag:s28] =	ssyncset.done $0x0  }
0x85: {  	s0 =	rddreg [dreg:$0x5];
	[sflag:s28] =	ssyncadd.s32 $0xFFFF8000  }
0x86: {  	[hbm4b:s0+s4] =	stream.linear.scatter [tilespmem:s9], [sflag:$0x3], $0x8000, $0x38;
	[tilespmem:$0x10D80] =	vst v63  }
0x87: {  	[tilespmem:$0x0] =	vst v5  }
0x88: {  	[tilespmem:$0x10] =	vst v6  }
0x89: {  	_ =	swait.ge [sflag:s29], $0x8000  }
0x8a: {  	[sflag:s29] =	ssyncset.done $0x0  }
0x8b: {  	[sflag:s29] =	ssyncadd.s32 $0xFFFF8000  }
0x8c: {  	[tilespmem:s9], [sflag:$0x1] =	stream.indirect_vreg.gather [hbm4b:s1+s4], $0x80, v24, vm0, $0xb8;
	[tilespmem:$0x10D80] =	vst v63  }
0x8d: {  	_ = 	snop  }
0x8e: {  	[tilespmem:s5], [sflag:$0x1] =	stream.indirect_vreg.gather [hbm4b:s6+s4], $0x80, v24, vm0, $0xb8;
	[tilespmem:$0x10D80] =	vst v63  }
0x8f: {  	_ = 	snop  }
0x90: {  	[tilespmem:s14], [sflag:$0x1] =	stream.indirect_vreg.gather [hbm4b:s7+s4], $0x80, v24, vm0, $0xb8;
	[tilespmem:$0x10D80] =	vst v63  }
0x91: {  	_ = 	snop  }
0x92: {  	[tilespmem:s19], [sflag:$0x1] =	stream.indirect_vreg.gather [hbm4b:s8+s4], $0x80, v24, vm0, $0xb8;
	[tilespmem:$0x10D80] =	vst v63  }
0x93: {  	_ = 	snop  }
0x94: {  	[tilespmem:s10], [sflag:$0x1] =	stream.indirect_vreg.gather [hbm4b:s1+s4], $0x80, v25, vm0, $0xb8;
	[tilespmem:$0x10D80] =	vst v63  }
0x95: {  	_ = 	snop  }
0x96: {  	[tilespmem:s11], [sflag:$0x1] =	stream.indirect_vreg.gather [hbm4b:s6+s4], $0x80, v25, vm0, $0xb8;
	[tilespmem:$0x10D80] =	vst v63  }
0x97: {  	_ = 	snop  }
0x98: {  	[tilespmem:s12], [sflag:$0x1] =	stream.indirect_vreg.gather [hbm4b:s7+s4], $0x80, v25, vm0, $0xb8;
	[tilespmem:$0x10D80] =	vst v63  }
0x99: {  	_ = 	snop  }
0x9a: {  	[tilespmem:s15], [sflag:$0x1] =	stream.indirect_vreg.gather [hbm4b:s8+s4], $0x80, v25, vm0, $0xb8;
	[tilespmem:$0x10D80] =	vst v63  }
0x9b: {  	v52 =	vld [tilespmem:$0x10];
	_ =	sdelay $0x4  }
0x9c: {  	v53 =	vshll.u32 v52, $0x3  }
0x9d: {  	v36 =	vand.u32 $0x7, v52;
	v37 =	vand.u32 $0xFFFFFFC0, v53  }
0x9e: {  	v36 =	vor.u32 v36, v37  }
0x9f: {  	v37 =	vperm.xlane v36, v17;
	_ =	sdelay $0x1  }
0xa0: {  	v37 =	vadd.s32 v18, v37;
	_ =	sdelay $0x4  }
0xa1: {  	[tilespmem:s16], [sflag:$0x1] =	stream.indirect_vreg.gather [hbm4b:s1+s4], $0x80, v37, vm0, $0xb8;
	[tilespmem:$0x10D80] =	vst v63  }
0xa2: {  	v36 =	vperm.xlane v36, v19  }
0xa3: {  	[tilespmem:s17], [sflag:$0x1] =	stream.indirect_vreg.gather [hbm4b:s6+s4], $0x80, v37, vm0, $0xb8;
	[tilespmem:$0x10D80] =	vst v63  }
0xa4: {  	v36 =	vadd.s32 v18, v36  }
0xa5: {  	[tilespmem:s18], [sflag:$0x1] =	stream.indirect_vreg.gather [hbm4b:s7+s4], $0x80, v37, vm0, $0xb8;
	[tilespmem:$0x10D80] =	vst v63  }
0xa6: {  	_ = 	snop  }
0xa7: {  	[tilespmem:s21], [sflag:$0x1] =	stream.indirect_vreg.gather [hbm4b:s8+s4], $0x80, v37, vm0, $0xb8;
	[tilespmem:$0x10D80] =	vst v63  }
0xa8: {  	_ = 	snop  }
0xa9: {  	[tilespmem:s22], [sflag:$0x1] =	stream.indirect_vreg.gather [hbm4b:s1+s4], $0x80, v36, vm0, $0xb8;
	[tilespmem:$0x10D80] =	vst v63  }
0xaa: {  	_ = 	snop  }
0xab: {  	[tilespmem:s23], [sflag:$0x1] =	stream.indirect_vreg.gather [hbm4b:s6+s4], $0x80, v36, vm0, $0xb8;
	[tilespmem:$0x10D80] =	vst v63  }
0xac: {  	_ = 	snop  }
0xad: {  	[tilespmem:s24], [sflag:$0x1] =	stream.indirect_vreg.gather [hbm4b:s7+s4], $0x80, v36, vm0, $0xb8;
	[tilespmem:$0x10D80] =	vst v63  }
0xae: {  	_ = 	snop  }
0xaf: {  	[tilespmem:s25], [sflag:$0x1] =	stream.indirect_vreg.gather [hbm4b:s8+s4], $0x80, v36, vm0, $0xb8;
	[tilespmem:$0x10D80] =	vst v63  }
0xb0: {  	_ =	swait.ge [sflag:s30], $0x8000  }
0xb1: {  	[sflag:s30] =	ssyncset.done $0x0  }
0xb2: {  	s0 =	rddreg [dreg:$0x6];
	[sflag:s30] =	ssyncadd.s32 $0xFFFF8000  }
0xb3: {  	[hbm4b:s0+s4] =	stream.linear.scatter [tilespmem:s3], [sflag:$0x4], $0x8000, $0x38;
	[tilespmem:$0x10D80] =	vst v63  }
0xb4: {  	[tilespmem:$0x80] =	vst v7  }
0xb5: {  	[tilespmem:$0x90] =	vst v8  }
0xb6: {  	_ =	swait.ge [sflag:s31], $0x8000  }
0xb7: {  	[sflag:s31] =	ssyncset.done $0x0  }
0xb8: {  	[sflag:s31] =	ssyncadd.s32 $0xFFFF8000  }
0xb9: {  	[tilespmem:s3], [sflag:$0x2] =	stream.indirect_vreg.gather [hbm4b:s1+s4], $0x80, v26, vm0, $0xb8;
	[tilespmem:$0x10D80] =	vst v63  }
0xba: {  	_ = 	snop  }
0xbb: {  	[tilespmem:s26], [sflag:$0x2] =	stream.indirect_vreg.gather [hbm4b:s6+s4], $0x80, v26, vm0, $0xb8;
	[tilespmem:$0x10D80] =	vst v63  }
0xbc: {  	_ = 	snop  }
0xbd: {  	[tilespmem:s20], [sflag:$0x2] =	stream.indirect_vreg.gather [hbm4b:s7+s4], $0x80, v26, vm0, $0xb8;
	[tilespmem:$0x10D80] =	vst v63  }
0xbe: {  	s0 =	simm.s32 $0x9900  }
0xbf: {  	[tilespmem:s0], [sflag:$0x2] =	stream.indirect_vreg.gather [hbm4b:s8+s4], $0x80, v26, vm0, $0xb8;
	[tilespmem:$0x10D80] =	vst v63  }
0xc0: {  	s0 =	simm.s32 $0xA100  }
0xc1: {  	[tilespmem:s0], [sflag:$0x2] =	stream.indirect_vreg.gather [hbm4b:s1+s4], $0x80, v27, vm0, $0xb8;
	[tilespmem:$0x10D80] =	vst v63  }
0xc2: {  	s0 =	simm.s32 $0xA900  }
0xc3: {  	[tilespmem:s0], [sflag:$0x2] =	stream.indirect_vreg.gather [hbm4b:s6+s4], $0x80, v27, vm0, $0xb8;
	[tilespmem:$0x10D80] =	vst v63  }
0xc4: {  	s0 =	simm.s32 $0xB100  }
0xc5: {  	[tilespmem:s0], [sflag:$0x2] =	stream.indirect_vreg.gather [hbm4b:s7+s4], $0x80, v27, vm0, $0xb8;
	[tilespmem:$0x10D80] =	vst v63  }
0xc6: {  	s13 =	simm.s32 $0xB900  }
0xc7: {  	[tilespmem:s13], [sflag:$0x2] =	stream.indirect_vreg.gather [hbm4b:s8+s4], $0x80, v27, vm0, $0xb8;
	[tilespmem:$0x10D80] =	vst v63  }
0xc8: {  	v54 =	vld [tilespmem:$0x90];
	_ =	sdelay $0x4  }
0xc9: {  	v55 =	vshll.u32 v54, $0x3  }
0xca: {  	v36 =	vand.u32 $0x7, v54;
	v37 =	vand.u32 $0xFFFFFFC0, v55  }
0xcb: {  	v36 =	vor.u32 v36, v37  }
0xcc: {  	v37 =	vperm.xlane v36, v17;
	_ =	sdelay $0x1  }
0xcd: {  	v37 =	vadd.s32 v18, v37;
	_ =	sdelay $0x3  }
0xce: {  	s13 =	simm.s32 $0xC100  }
0xcf: {  	[tilespmem:s13], [sflag:$0x2] =	stream.indirect_vreg.gather [hbm4b:s1+s4], $0x80, v37, vm0, $0xb8;
	[tilespmem:$0x10D80] =	vst v63  }
0xd0: {  	v36 =	vperm.xlane v36, v19;
	s13 =	simm.s32 $0xC900  }
0xd1: {  	[tilespmem:s13], [sflag:$0x2] =	stream.indirect_vreg.gather [hbm4b:s6+s4], $0x80, v37, vm0, $0xb8;
	[tilespmem:$0x10D80] =	vst v63  }
0xd2: {  	v36 =	vadd.s32 v18, v36;
	s13 =	simm.s32 $0xD100  }
0xd3: {  	[tilespmem:s13], [sflag:$0x2] =	stream.indirect_vreg.gather [hbm4b:s7+s4], $0x80, v37, vm0, $0xb8;
	[tilespmem:$0x10D80] =	vst v63  }
0xd4: {  	s13 =	simm.s32 $0xD900  }
0xd5: {  	[tilespmem:s13], [sflag:$0x2] =	stream.indirect_vreg.gather [hbm4b:s8+s4], $0x80, v37, vm0, $0xb8;
	[tilespmem:$0x10D80] =	vst v63  }
0xd6: {  	s13 =	simm.s32 $0xE100  }
0xd7: {  	[tilespmem:s13], [sflag:$0x2] =	stream.indirect_vreg.gather [hbm4b:s1+s4], $0x80, v36, vm0, $0xb8;
	[tilespmem:$0x10D80] =	vst v63  }
0xd8: {  	s13 =	simm.s32 $0xE900  }
0xd9: {  	[tilespmem:s13], [sflag:$0x2] =	stream.indirect_vreg.gather [hbm4b:s6+s4], $0x80, v36, vm0, $0xb8;
	[tilespmem:$0x10D80] =	vst v63  }
0xda: {  	s13 =	simm.s32 $0xF100  }
0xdb: {  	[tilespmem:s13], [sflag:$0x2] =	stream.indirect_vreg.gather [hbm4b:s7+s4], $0x80, v36, vm0, $0xb8;
	[tilespmem:$0x10D80] =	vst v63  }
0xdc: {  	s13 =	simm.s32 $0xF900  }
0xdd: {  	[tilespmem:s13], [sflag:$0x2] =	stream.indirect_vreg.gather [hbm4b:s8+s4], $0x80, v36, vm0, $0xb8;
	[tilespmem:$0x10D80] =	vst v63  }
0xde: {  	_ =	swait.ge [sflag:s28], $0x8000  }
0xdf: {  	[sflag:s28] =	ssyncset.done $0x0  }
0xe0: {  	s13 =	rddreg [dreg:$0x7];
	[sflag:s28] =	ssyncadd.s32 $0xFFFF8000  }
0xe1: {  	[hbm4b:s13+s4] =	stream.linear.scatter [tilespmem:s9], [sflag:$0x3], $0x8000, $0x38;
	[tilespmem:$0x10D80] =	vst v63  }
0xe2: {  	[tilespmem:$0x0] =	vst v9  }
0xe3: {  	[tilespmem:$0x10] =	vst v10  }
0xe4: {  	_ =	swait.ge [sflag:s29], $0x8000  }
0xe5: {  	[sflag:s29] =	ssyncset.done $0x0  }
0xe6: {  	[sflag:s29] =	ssyncadd.s32 $0xFFFF8000  }
0xe7: {  	[tilespmem:s9], [sflag:$0x1] =	stream.indirect_vreg.gather [hbm4b:s1+s4], $0x80, v28, vm0, $0xb8;
	[tilespmem:$0x10D80] =	vst v63  }
0xe8: {  	_ = 	snop  }
0xe9: {  	[tilespmem:s5], [sflag:$0x1] =	stream.indirect_vreg.gather [hbm4b:s6+s4], $0x80, v28, vm0, $0xb8;
	[tilespmem:$0x10D80] =	vst v63  }
0xea: {  	_ = 	snop  }
0xeb: {  	[tilespmem:s14], [sflag:$0x1] =	stream.indirect_vreg.gather [hbm4b:s7+s4], $0x80, v28, vm0, $0xb8;
	[tilespmem:$0x10D80] =	vst v63  }
0xec: {  	_ = 	snop  }
0xed: {  	[tilespmem:s19], [sflag:$0x1] =	stream.indirect_vreg.gather [hbm4b:s8+s4], $0x80, v28, vm0, $0xb8;
	[tilespmem:$0x10D80] =	vst v63  }
0xee: {  	_ = 	snop  }
0xef: {  	[tilespmem:s10], [sflag:$0x1] =	stream.indirect_vreg.gather [hbm4b:s1+s4], $0x80, v29, vm0, $0xb8;
	[tilespmem:$0x10D80] =	vst v63  }
0xf0: {  	_ = 	snop  }
0xf1: {  	[tilespmem:s11], [sflag:$0x1] =	stream.indirect_vreg.gather [hbm4b:s6+s4], $0x80, v29, vm0, $0xb8;
	[tilespmem:$0x10D80] =	vst v63  }
0xf2: {  	_ = 	snop  }
0xf3: {  	[tilespmem:s12], [sflag:$0x1] =	stream.indirect_vreg.gather [hbm4b:s7+s4], $0x80, v29, vm0, $0xb8;
	[tilespmem:$0x10D80] =	vst v63  }
0xf4: {  	_ = 	snop  }
0xf5: {  	[tilespmem:s15], [sflag:$0x1] =	stream.indirect_vreg.gather [hbm4b:s8+s4], $0x80, v29, vm0, $0xb8;
	[tilespmem:$0x10D80] =	vst v63  }
0xf6: {  	v56 =	vld [tilespmem:$0x10];
	_ =	sdelay $0x4  }
0xf7: {  	v57 =	vshll.u32 v56, $0x3  }
0xf8: {  	v36 =	vand.u32 $0x7, v56;
	v37 =	vand.u32 $0xFFFFFFC0, v57  }
0xf9: {  	v36 =	vor.u32 v36, v37  }
0xfa: {  	v37 =	vperm.xlane v36, v17;
	_ =	sdelay $0x1  }
0xfb: {  	v37 =	vadd.s32 v18, v37;
	_ =	sdelay $0x4  }
0xfc: {  	[tilespmem:s16], [sflag:$0x1] =	stream.indirect_vreg.gather [hbm4b:s1+s4], $0x80, v37, vm0, $0xb8;
	[tilespmem:$0x10D80] =	vst v63  }
0xfd: {  	v36 =	vperm.xlane v36, v19  }
0xfe: {  	[tilespmem:s17], [sflag:$0x1] =	stream.indirect_vreg.gather [hbm4b:s6+s4], $0x80, v37, vm0, $0xb8;
	[tilespmem:$0x10D80] =	vst v63  }
0xff: {  	v36 =	vadd.s32 v18, v36  }
0x100: {  	[tilespmem:s18], [sflag:$0x1] =	stream.indirect_vreg.gather [hbm4b:s7+s4], $0x80, v37, vm0, $0xb8;
	[tilespmem:$0x10D80] =	vst v63  }
0x101: {  	_ = 	snop  }
0x102: {  	[tilespmem:s21], [sflag:$0x1] =	stream.indirect_vreg.gather [hbm4b:s8+s4], $0x80, v37, vm0, $0xb8;
	[tilespmem:$0x10D80] =	vst v63  }
0x103: {  	_ = 	snop  }
0x104: {  	[tilespmem:s22], [sflag:$0x1] =	stream.indirect_vreg.gather [hbm4b:s1+s4], $0x80, v36, vm0, $0xb8;
	[tilespmem:$0x10D80] =	vst v63  }
0x105: {  	_ = 	snop  }
0x106: {  	[tilespmem:s23], [sflag:$0x1] =	stream.indirect_vreg.gather [hbm4b:s6+s4], $0x80, v36, vm0, $0xb8;
	[tilespmem:$0x10D80] =	vst v63  }
0x107: {  	_ = 	snop  }
0x108: {  	[tilespmem:s24], [sflag:$0x1] =	stream.indirect_vreg.gather [hbm4b:s7+s4], $0x80, v36, vm0, $0xb8;
	[tilespmem:$0x10D80] =	vst v63  }
0x109: {  	_ = 	snop  }
0x10a: {  	[tilespmem:s25], [sflag:$0x1] =	stream.indirect_vreg.gather [hbm4b:s8+s4], $0x80, v36, vm0, $0xb8;
	[tilespmem:$0x10D80] =	vst v63  }
0x10b: {  	_ =	swait.ge [sflag:s30], $0x8000  }
0x10c: {  	[sflag:s30] =	ssyncset.done $0x0  }
0x10d: {  	s13 =	rddreg [dreg:$0x8];
	[sflag:s30] =	ssyncadd.s32 $0xFFFF8000  }
0x10e: {  	[hbm4b:s13+s4] =	stream.linear.scatter [tilespmem:s3], [sflag:$0x4], $0x8000, $0x38;
	[tilespmem:$0x10D80] =	vst v63  }
0x10f: {  	[tilespmem:$0x80] =	vst v11  }
0x110: {  	[tilespmem:$0x90] =	vst v12  }
0x111: {  	_ =	swait.ge [sflag:s31], $0x8000  }
0x112: {  	[sflag:s31] =	ssyncset.done $0x0  }
0x113: {  	[sflag:s31] =	ssyncadd.s32 $0xFFFF8000  }
0x114: {  	[tilespmem:s3], [sflag:$0x2] =	stream.indirect_vreg.gather [hbm4b:s1+s4], $0x80, v30, vm0, $0xb8;
	[tilespmem:$0x10D80] =	vst v63  }
0x115: {  	_ = 	snop  }
0x116: {  	[tilespmem:s26], [sflag:$0x2] =	stream.indirect_vreg.gather [hbm4b:s6+s4], $0x80, v30, vm0, $0xb8;
	[tilespmem:$0x10D80] =	vst v63  }
0x117: {  	_ = 	snop  }
0x118: {  	[tilespmem:s20], [sflag:$0x2] =	stream.indirect_vreg.gather [hbm4b:s7+s4], $0x80, v30, vm0, $0xb8;
	[tilespmem:$0x10D80] =	vst v63  }
0x119: {  	s13 =	simm.s32 $0x9900  }
0x11a: {  	[tilespmem:s13], [sflag:$0x2] =	stream.indirect_vreg.gather [hbm4b:s8+s4], $0x80, v30, vm0, $0xb8;
	[tilespmem:$0x10D80] =	vst v63  }
0x11b: {  	s0 =	simm.s32 $0xA100  }
0x11c: {  	[tilespmem:s0], [sflag:$0x2] =	stream.indirect_vreg.gather [hbm4b:s1+s4], $0x80, v31, vm0, $0xb8;
	[tilespmem:$0x10D80] =	vst v63  }
0x11d: {  	s0 =	simm.s32 $0xA900  }
0x11e: {  	[tilespmem:s0], [sflag:$0x2] =	stream.indirect_vreg.gather [hbm4b:s6+s4], $0x80, v31, vm0, $0xb8;
	[tilespmem:$0x10D80] =	vst v63  }
0x11f: {  	s0 =	simm.s32 $0xB100  }
0x120: {  	[tilespmem:s0], [sflag:$0x2] =	stream.indirect_vreg.gather [hbm4b:s7+s4], $0x80, v31, vm0, $0xb8;
	[tilespmem:$0x10D80] =	vst v63  }
0x121: {  	s0 =	simm.s32 $0xB900  }
0x122: {  	[tilespmem:s0], [sflag:$0x2] =	stream.indirect_vreg.gather [hbm4b:s8+s4], $0x80, v31, vm0, $0xb8;
	[tilespmem:$0x10D80] =	vst v63  }
0x123: {  	v58 =	vld [tilespmem:$0x90];
	_ =	sdelay $0x4  }
0x124: {  	v59 =	vshll.u32 v58, $0x3  }
0x125: {  	v36 =	vand.u32 $0x7, v58;
	v37 =	vand.u32 $0xFFFFFFC0, v59  }
0x126: {  	v36 =	vor.u32 v36, v37  }
0x127: {  	v37 =	vperm.xlane v36, v17;
	_ =	sdelay $0x1  }
0x128: {  	v37 =	vadd.s32 v18, v37;
	_ =	sdelay $0x3  }
0x129: {  	s0 =	simm.s32 $0xC100  }
0x12a: {  	[tilespmem:s0], [sflag:$0x2] =	stream.indirect_vreg.gather [hbm4b:s1+s4], $0x80, v37, vm0, $0xb8;
	[tilespmem:$0x10D80] =	vst v63  }
0x12b: {  	v36 =	vperm.xlane v36, v19;
	s0 =	simm.s32 $0xC900  }
0x12c: {  	[tilespmem:s0], [sflag:$0x2] =	stream.indirect_vreg.gather [hbm4b:s6+s4], $0x80, v37, vm0, $0xb8;
	[tilespmem:$0x10D80] =	vst v63  }
0x12d: {  	v36 =	vadd.s32 v18, v36;
	s0 =	simm.s32 $0xD100  }
0x12e: {  	[tilespmem:s0], [sflag:$0x2] =	stream.indirect_vreg.gather [hbm4b:s7+s4], $0x80, v37, vm0, $0xb8;
	[tilespmem:$0x10D80] =	vst v63  }
0x12f: {  	s0 =	simm.s32 $0xD900  }
0x130: {  	[tilespmem:s0], [sflag:$0x2] =	stream.indirect_vreg.gather [hbm4b:s8+s4], $0x80, v37, vm0, $0xb8;
	[tilespmem:$0x10D80] =	vst v63  }
0x131: {  	s0 =	simm.s32 $0xE100  }
0x132: {  	[tilespmem:s0], [sflag:$0x2] =	stream.indirect_vreg.gather [hbm4b:s1+s4], $0x80, v36, vm0, $0xb8;
	[tilespmem:$0x10D80] =	vst v63  }
0x133: {  	s0 =	simm.s32 $0xE900  }
0x134: {  	[tilespmem:s0], [sflag:$0x2] =	stream.indirect_vreg.gather [hbm4b:s6+s4], $0x80, v36, vm0, $0xb8;
	[tilespmem:$0x10D80] =	vst v63  }
0x135: {  	s0 =	simm.s32 $0xF100  }
0x136: {  	[tilespmem:s0], [sflag:$0x2] =	stream.indirect_vreg.gather [hbm4b:s7+s4], $0x80, v36, vm0, $0xb8;
	[tilespmem:$0x10D80] =	vst v63  }
0x137: {  	s0 =	simm.s32 $0xF900  }
0x138: {  	[tilespmem:s0], [sflag:$0x2] =	stream.indirect_vreg.gather [hbm4b:s8+s4], $0x80, v36, vm0, $0xb8;
	[tilespmem:$0x10D80] =	vst v63  }
0x139: {  	_ =	swait.ge [sflag:s28], $0x8000  }
0x13a: {  	[sflag:s28] =	ssyncset.done $0x0  }
0x13b: {  	s0 =	rddreg [dreg:$0x9];
	[sflag:s28] =	ssyncadd.s32 $0xFFFF8000  }
0x13c: {  	[hbm4b:s0+s4] =	stream.linear.scatter [tilespmem:s9], [sflag:$0x3], $0x8000, $0x38;
	[tilespmem:$0x10D80] =	vst v63  }
0x13d: {  	[tilespmem:$0x0] =	vst v13  }
0x13e: {  	[tilespmem:$0x10] =	vst v14  }
0x13f: {  	_ =	swait.ge [sflag:s29], $0x8000  }
0x140: {  	[sflag:s29] =	ssyncset.done $0x0  }
0x141: {  	[sflag:s29] =	ssyncadd.s32 $0xFFFF8000  }
0x142: {  	[tilespmem:s9], [sflag:$0x1] =	stream.indirect_vreg.gather [hbm4b:s1+s4], $0x80, v32, vm0, $0xb8;
	[tilespmem:$0x10D80] =	vst v63  }
0x143: {  	_ = 	snop  }
0x144: {  	[tilespmem:s5], [sflag:$0x1] =	stream.indirect_vreg.gather [hbm4b:s6+s4], $0x80, v32, vm0, $0xb8;
	[tilespmem:$0x10D80] =	vst v63  }
0x145: {  	_ = 	snop  }
0x146: {  	[tilespmem:s14], [sflag:$0x1] =	stream.indirect_vreg.gather [hbm4b:s7+s4], $0x80, v32, vm0, $0xb8;
	[tilespmem:$0x10D80] =	vst v63  }
0x147: {  	_ = 	snop  }
0x148: {  	[tilespmem:s19], [sflag:$0x1] =	stream.indirect_vreg.gather [hbm4b:s8+s4], $0x80, v32, vm0, $0xb8;
	[tilespmem:$0x10D80] =	vst v63  }
0x149: {  	_ = 	snop  }
0x14a: {  	[tilespmem:s10], [sflag:$0x1] =	stream.indirect_vreg.gather [hbm4b:s1+s4], $0x80, v33, vm0, $0xb8;
	[tilespmem:$0x10D80] =	vst v63  }
0x14b: {  	_ = 	snop  }
0x14c: {  	[tilespmem:s11], [sflag:$0x1] =	stream.indirect_vreg.gather [hbm4b:s6+s4], $0x80, v33, vm0, $0xb8;
	[tilespmem:$0x10D80] =	vst v63  }
0x14d: {  	_ = 	snop  }
0x14e: {  	[tilespmem:s12], [sflag:$0x1] =	stream.indirect_vreg.gather [hbm4b:s7+s4], $0x80, v33, vm0, $0xb8;
	[tilespmem:$0x10D80] =	vst v63  }
0x14f: {  	_ = 	snop  }
0x150: {  	[tilespmem:s15], [sflag:$0x1] =	stream.indirect_vreg.gather [hbm4b:s8+s4], $0x80, v33, vm0, $0xb8;
	[tilespmem:$0x10D80] =	vst v63  }
0x151: {  	v60 =	vld [tilespmem:$0x10];
	_ =	sdelay $0x4  }
0x152: {  	v61 =	vshll.u32 v60, $0x3  }
0x153: {  	v36 =	vand.u32 $0x7, v60;
	v37 =	vand.u32 $0xFFFFFFC0, v61  }
0x154: {  	v36 =	vor.u32 v36, v37  }
0x155: {  	v37 =	vperm.xlane v36, v17;
	_ =	sdelay $0x1  }
0x156: {  	v37 =	vadd.s32 v18, v37;
	_ =	sdelay $0x4  }
0x157: {  	[tilespmem:s16], [sflag:$0x1] =	stream.indirect_vreg.gather [hbm4b:s1+s4], $0x80, v37, vm0, $0xb8;
	[tilespmem:$0x10D80] =	vst v63  }
0x158: {  	v36 =	vperm.xlane v36, v19  }
0x159: {  	[tilespmem:s17], [sflag:$0x1] =	stream.indirect_vreg.gather [hbm4b:s6+s4], $0x80, v37, vm0, $0xb8;
	[tilespmem:$0x10D80] =	vst v63  }
0x15a: {  	v36 =	vadd.s32 v18, v36  }
0x15b: {  	[tilespmem:s18], [sflag:$0x1] =	stream.indirect_vreg.gather [hbm4b:s7+s4], $0x80, v37, vm0, $0xb8;
	[tilespmem:$0x10D80] =	vst v63  }
0x15c: {  	_ = 	snop  }
0x15d: {  	[tilespmem:s21], [sflag:$0x1] =	stream.indirect_vreg.gather [hbm4b:s8+s4], $0x80, v37, vm0, $0xb8;
	[tilespmem:$0x10D80] =	vst v63  }
0x15e: {  	_ = 	snop  }
0x15f: {  	[tilespmem:s22], [sflag:$0x1] =	stream.indirect_vreg.gather [hbm4b:s1+s4], $0x80, v36, vm0, $0xb8;
	[tilespmem:$0x10D80] =	vst v63  }
0x160: {  	_ = 	snop  }
0x161: {  	[tilespmem:s23], [sflag:$0x1] =	stream.indirect_vreg.gather [hbm4b:s6+s4], $0x80, v36, vm0, $0xb8;
	[tilespmem:$0x10D80] =	vst v63  }
0x162: {  	_ = 	snop  }
0x163: {  	[tilespmem:s24], [sflag:$0x1] =	stream.indirect_vreg.gather [hbm4b:s7+s4], $0x80, v36, vm0, $0xb8;
	[tilespmem:$0x10D80] =	vst v63  }
0x164: {  	s14 =	rddreg [dreg:$0xd]  }
0x165: {  	[tilespmem:s25], [sflag:$0x1] =	stream.indirect_vreg.gather [hbm4b:s8+s4], $0x80, v36, vm0, $0xb8;
	[tilespmem:$0x10D80] =	vst v63  }
0x166: {  	s19 =	rddreg [dreg:$0xe];
	_ =	swait.ge [sflag:s30], $0x8000  }
0x167: {  	[sflag:s30] =	ssyncset.done $0x0  }
0x168: {  	s10 =	rddreg [dreg:$0xa];
	[sflag:s30] =	ssyncadd.s32 $0xFFFF8000  }
0x169: {  	[hbm4b:s10+s4] =	stream.linear.scatter [tilespmem:s3], [sflag:$0x4], $0x8000, $0x38;
	[tilespmem:$0x10D80] =	vst v63  }
0x16a: {  	[tilespmem:$0x80] =	vst v15  }
0x16b: {  	[tilespmem:$0x90] =	vst v16  }
0x16c: {  	_ =	swait.ge [sflag:s31], $0x8000  }
0x16d: {  	[sflag:s31] =	ssyncset.done $0x0  }
0x16e: {  	[sflag:s31] =	ssyncadd.s32 $0xFFFF8000  }
0x16f: {  	[tilespmem:s3], [sflag:$0x2] =	stream.indirect_vreg.gather [hbm4b:s1+s4], $0x80, v34, vm0, $0xb8;
	[tilespmem:$0x10D80] =	vst v63  }
0x170: {  	_ = 	snop  }
0x171: {  	[tilespmem:s26], [sflag:$0x2] =	stream.indirect_vreg.gather [hbm4b:s6+s4], $0x80, v34, vm0, $0xb8;
	[tilespmem:$0x10D80] =	vst v63  }
0x172: {  	_ = 	snop  }
0x173: {  	[tilespmem:s20], [sflag:$0x2] =	stream.indirect_vreg.gather [hbm4b:s7+s4], $0x80, v34, vm0, $0xb8;
	[tilespmem:$0x10D80] =	vst v63  }
0x174: {  	s13 =	simm.s32 $0x9900  }
0x175: {  	[tilespmem:s13], [sflag:$0x2] =	stream.indirect_vreg.gather [hbm4b:s8+s4], $0x80, v34, vm0, $0xb8;
	[tilespmem:$0x10D80] =	vst v63  }
0x176: {  	s10 =	simm.s32 $0xA100  }
0x177: {  	[tilespmem:s10], [sflag:$0x2] =	stream.indirect_vreg.gather [hbm4b:s1+s4], $0x80, v35, vm0, $0xb8;
	[tilespmem:$0x10D80] =	vst v63  }
0x178: {  	s13 =	simm.s32 $0xA900  }
0x179: {  	[tilespmem:s13], [sflag:$0x2] =	stream.indirect_vreg.gather [hbm4b:s6+s4], $0x80, v35, vm0, $0xb8;
	[tilespmem:$0x10D80] =	vst v63  }
0x17a: {  	s10 =	simm.s32 $0xB100  }
0x17b: {  	[tilespmem:s10], [sflag:$0x2] =	stream.indirect_vreg.gather [hbm4b:s7+s4], $0x80, v35, vm0, $0xb8;
	[tilespmem:$0x10D80] =	vst v63  }
0x17c: {  	s13 =	simm.s32 $0xB900  }
0x17d: {  	[tilespmem:s13], [sflag:$0x2] =	stream.indirect_vreg.gather [hbm4b:s8+s4], $0x80, v35, vm0, $0xb8;
	[tilespmem:$0x10D80] =	vst v63  }
0x17e: {  	v62 =	vld [tilespmem:$0x90];
	_ =	sdelay $0x4  }
0x17f: {  	v63 =	vshll.u32 v62, $0x3  }
0x180: {  	v36 =	vand.u32 $0x7, v62;
	v37 =	vand.u32 $0xFFFFFFC0, v63  }
0x181: {  	v36 =	vor.u32 v36, v37  }
0x182: {  	v37 =	vperm.xlane v36, v17;
	_ =	sdelay $0x1  }
0x183: {  	v37 =	vadd.s32 v18, v37;
	_ =	sdelay $0x3  }
0x184: {  	s10 =	simm.s32 $0xC100  }
0x185: {  	[tilespmem:s10], [sflag:$0x2] =	stream.indirect_vreg.gather [hbm4b:s1+s4], $0x80, v37, vm0, $0xb8;
	[tilespmem:$0x10D80] =	vst v63  }
0x186: {  	s13 =	simm.s32 $0xC900;
	v36 =	vperm.xlane v36, v19  }
0x187: {  	[tilespmem:s13], [sflag:$0x2] =	stream.indirect_vreg.gather [hbm4b:s6+s4], $0x80, v37, vm0, $0xb8;
	[tilespmem:$0x10D80] =	vst v63  }
0x188: {  	v36 =	vadd.s32 v18, v36;
	s10 =	simm.s32 $0xD100  }
0x189: {  	[tilespmem:s10], [sflag:$0x2] =	stream.indirect_vreg.gather [hbm4b:s7+s4], $0x80, v37, vm0, $0xb8;
	[tilespmem:$0x10D80] =	vst v63  }
0x18a: {  	s13 =	simm.s32 $0xD900  }
0x18b: {  	[tilespmem:s13], [sflag:$0x2] =	stream.indirect_vreg.gather [hbm4b:s8+s4], $0x80, v37, vm0, $0xb8;
	[tilespmem:$0x10D80] =	vst v63  }
0x18c: {  	s10 =	simm.s32 $0xE100  }
0x18d: {  	[tilespmem:s10], [sflag:$0x2] =	stream.indirect_vreg.gather [hbm4b:s1+s4], $0x80, v36, vm0, $0xb8;
	[tilespmem:$0x10D80] =	vst v63  }
0x18e: {  	s13 =	simm.s32 $0xE900  }
0x18f: {  	[tilespmem:s13], [sflag:$0x2] =	stream.indirect_vreg.gather [hbm4b:s6+s4], $0x80, v36, vm0, $0xb8;
	[tilespmem:$0x10D80] =	vst v63  }
0x190: {  	s10 =	simm.s32 $0xF100  }
0x191: {  	[tilespmem:s10], [sflag:$0x2] =	stream.indirect_vreg.gather [hbm4b:s7+s4], $0x80, v36, vm0, $0xb8;
	[tilespmem:$0x10D80] =	vst v63  }
0x192: {  	s13 =	simm.s32 $0xF900  }
0x193: {  	[tilespmem:s13], [sflag:$0x2] =	stream.indirect_vreg.gather [hbm4b:s8+s4], $0x80, v36, vm0, $0xb8;
	[tilespmem:$0x10D80] =	vst v63  }
0x194: {  	_ =	swait.ge [sflag:s28], $0x8000  }
0x195: {  	[sflag:s28] =	ssyncset.done $0x0  }
0x196: {  	s10 =	rddreg [dreg:$0xb];
	[sflag:s28] =	ssyncadd.s32 $0xFFFF8000  }
0x197: {  	[hbm4b:s10+s4] =	stream.linear.scatter [tilespmem:s9], [sflag:$0x3], $0x8000, $0x38;
	[tilespmem:$0x10D80] =	vst v63  }
0x198: {  	_ =	swait.ge [sflag:s30], $0x8000  }
0x199: {  	[sflag:s30] =	ssyncset.done $0x0  }
0x19a: {  	s13 =	rddreg [dreg:$0xc];
	[sflag:s30] =	ssyncadd.s32 $0xFFFF8000  }
0x19b: {  	[hbm4b:s13+s4] =	stream.linear.scatter [tilespmem:s3], [sflag:$0x4], $0x8000, $0x38;
	[tilespmem:$0x10D80] =	vst v63  }
0x19c: {  	_ =	swait.ge [sflag:s29], $0x8000  }
0x19d: {  	[sflag:s29] =	ssyncset.done $0x0  }
0x19e: {  	[sflag:s29] =	ssyncadd.s32 $0xFFFF8000  }
0x19f: {  	_ =	swait.ge [sflag:s31], $0x8000  }
0x1a0: {  	[sflag:s31] =	ssyncset.done $0x0  }
0x1a1: {  	s0 =	simm.s32 @!p0 $0x5;
	[sflag:s31] =	ssyncadd.s32 $0xFFFF8000  }
0x1a2: {  	_ =	swait.ge @!p0 [sflag:s0], $0x400  }
0x1a3: {  	s2 =	sadd.s32 $0x1, s2;
	s9 =	simm.s32 @!p0 $0x400;
	[sflag:s0] =	ssyncset.done @!p0 $0x0  }
0x1a4: {  	s10 =	simm.s32 @!p0 $0x10100;
	s3 =	simm.s32 @!p0 $0x80;
	[sflag:s0] =	ssyncadd.s32 @!p0 $0xFFFFFC00  }
0x1a5: {  	[hbm4b:s19+s3] =	stream.strided.scatter @!p0 [tilespmem:s10], [sflag:$0x5], $0x400, s9, s3, $0x38;
	[tilespmem:$0x10D80] =	vst v63  }
0x1a6: {  	p2 =	sne.s32 s2, s14;
	_ =	swait.ge @!p0 [sflag:s0], $0x400  }
.Ltmp1:
0x1a7: {  	[sflag:s0] =	ssyncset.done @!p0 $0x0;
	(pc) =	sbr.rel @!p2 .LBB2_6-.Ltmp1, $4  }
0x1a8: {  	[sflag:s0] =	ssyncadd.s32 @!p0 $0xFFFFFC00;
	s0 =	simm.s32 @!p1 $0x5  }
0x1a9: {  	_ =	swait.ge @!p1 [sflag:s0], $0x801  }
0x1aa: {  	[sflag:s0] =	ssyncset.done @!p1 $0x0  }
0x1ab: {  	[sflag:s0] =	ssyncadd.s32 @!p1 $0xFFFFF7FF  }
.LBB2_1:
.Ltmp2:
0x1ac: {  	(pc) =	sbr.rel @p1 .LBB2_5-.Ltmp2, $4  }
0x1ad: {  	_ = 	snop  }
0x1ae: {  	s3 =	simm.s32 @!p0 $0x80  }
0x1af: {  	s9 =	simm.s32 @!p0 $0x400;
	s10 =	simm.s32 @!p0 $0x10100;
	s0 =	rddreg [dreg:$0x4]  }
0x1b0: {  	[tilespmem:s10], [sflag:$0x5] =	stream.strided.gather @!p0 [hbm4b:s0+s3], $0x400, s9, s3, $0x38;
	[tilespmem:$0x10D80] =	vst v63  }
0x1b1: {  	v36 =	vmov s4  }
0x1b2: {  	v36 =	vshll.u32 v36, $0x2  }
0x1b3: {  	v36 =	vor.u32 v0, v36  }
0x1b4: {  	s3 =	simm.s32 $0x10500;
	v36 =	vmin.u32 v36, $0x1FFF  }
0x1b5: {  	s0 =	sadd.s32 $0x10, s4;
	[tilespmem:s3+$0x0] =	vst v36;
	s3 =	simm.s32 $0x10500  }
.LBB2_3:
0x1b6: {  	p2 =	sne.s32 s0, $0x800  }
.Ltmp3:
0x1b7: {  	v36 =	vmov s0;
	s0 =	sadd.s32 $0x10, s0;
	(pc) =	sbr.rel @p2 .LBB2_3-.Ltmp3, $4  }
0x1b8: {  	v36 =	vshll.u32 v36, $0x2  }
0x1b9: {  	v36 =	vor.u32 v0, v36  }
0x1ba: {  	s3 =	sadd.s32 $0x10, s3;
	v36 =	vmin.u32 v36, $0x1FFF  }
0x1bb: {  	[tilespmem:s3+$0x0] =	vst v36  }
.Ltmp4:
0x1bc: {  	_ = 	snop;
	(pc) =	sbr.rel .LBB2_4-.Ltmp4, $1  }
0x1bd: {  	_ =	sdelay $0x3  }
.LBB2_6:
0x1be: {  	_ =	sfence.sel $0x180000  }
0x1bf: {  	[bflag:$0x0] =	sbarrier.arrive $0xFFFF  }
0x1c0: {  	_ =	strace $0x90000047  }
0x1c1: {  	s0 =	stileid.u32;
	[bflag:$0x2] =	sbarrier.arrive $0xFFFF  }
0x1c2: {  	p0 =	sne.s32 s0, $0x0;
	s0 =	rddreg [dreg:$0x3]  }
0x1c3: {  	s0 =	sadd.s32 @!p0 $0x100000, s0  }
0x1c4: {  	[sflag:s0] =	ssyncadd.tile.s32 @!p0 $0x1;
	_ =	shalt  }
.Lfunc_end2:
_tile_overlayer_lowered:
.L_overlay_start_2:
0x1c5: {  	(tag) =	ssettag $0x2  }
0x1c6: {  	s0 =	rddreg [dreg:$0x0];
	s2 =	stileid.u32  }
0x1c7: {  	s1 =	rddreg [dreg:$0x1];
	p0 =	sne.s32 s2, $0x0  }
0x1c8: {  	s3 =	rddreg [dreg:$0x2];
	[bflag:$0x3] =	sbarrier.arrive $0xFFFF;
	s2 =	simm.s32 @!p0 $0x1C06  }
0x1c9: {  	[timem:s3], [sflag:s2] =	dma.local @!p0 [hbm:s0], s1  }
0x1ca: {  	s0 =	simm.s32 @!p0 $0x6  }
0x1cb: {  	_ =	swait.ge @!p0 [sflag:s0], s1  }
0x1cc: {  	s1 =	ssub.s32 @!p0 $0x0, s1;
	[sflag:s0] =	ssyncset.done @!p0 $0x0  }
0x1cd: {  	[sflag:s0] =	ssyncadd.s32 @!p0 s1  }
0x1ce: {  	[bflag:$0x3] =	sbarrier.arrive $0xFFFF  }
0x1cf: {  	_ =	shalt  }

</sc_bundles>
